<compile_context>
chip_gen: v7x
topology: tpu7x:2x2x1
jax: 0.10.2.dev20260603
libtpu: 0.0.44.dev20260713+nightly
codegen_flags: <defaults>
</compile_context>

<pallas_src>
import functools

import jax
import jax.numpy as jnp
from jax import lax
from jax.experimental import pallas as pl
from jax.experimental.pallas import tpu as pltpu
from jax.experimental.pallas import tpu_sc as plsc

_ORDER = 16
_L = 16
_NC = 2
_NS = 16
_NW = _NC * _NS
_ROWS = 200
_COLS = 16384
_CW = _COLS // _NW
_CR = 40
_CHUNK_ROWS = (8, 40, 40, 40, 40, 24, 8)
_CHUNK_OFFS = (0, 8, 48, 88, 128, 168, 192)
_NCHUNK = len(_CHUNK_ROWS)
_CVEC = _CW // _L
_NBUF = 3


def _body(inp_hbm, table_hbm, out_hbm, table_v, ins, outs, sin, sout):
    wid = lax.axis_index("s") * _NC + lax.axis_index("c")
    col0 = wid * _CW

    def start_in(ci):
        b = ci % _NBUF
        r0, nr = _CHUNK_OFFS[ci], _CHUNK_ROWS[ci]
        return pltpu.async_copy(
            inp_hbm.at[pl.ds(r0, nr), pl.ds(col0, _CW)],
            ins.at[b, pl.ds(0, nr)], sin.at[b])

    def start_out(ci):
        b = ci % _NBUF
        r0, nr = _CHUNK_OFFS[ci], _CHUNK_ROWS[ci]
        return pltpu.async_copy(
            outs.at[b, pl.ds(0, nr)],
            out_hbm.at[pl.ds(r0, nr), pl.ds(col0, _CW)], sout.at[b])

    in_copies = {ci: start_in(ci) for ci in range(min(_NBUF, _NCHUNK))}
    out_copies = {}
    pltpu.sync_copy(table_hbm, table_v)
    tbl = table_v[...]
    for ci in range(_NCHUNK):
        b = ci % _NBUF
        in_copies[ci].wait()
        if ci >= _NBUF:
            out_copies[ci - _NBUF].wait()
        iv, ov = ins.at[b], outs.at[b]

        @plsc.parallel_loop(0, _CHUNK_ROWS[ci] * _CVEC, unroll=16)
        def _gather(i, iv=iv, ov=ov):
            r = lax.shift_right_logical(i, 5)
            c = lax.shift_left(lax.bitwise_and(i, _CVEC - 1), 4)
            idx = iv[r, pl.ds(c, _L)]
            ov[r, pl.ds(c, _L)] = jnp.take_along_axis(
                tbl, idx, axis=0, mode="promise_in_bounds")

        out_copies[ci] = start_out(ci)
        if ci + _NBUF < _NCHUNK:
            in_copies[ci + _NBUF] = start_in(ci + _NBUF)

    for ci in range(max(0, _NCHUNK - _NBUF), _NCHUNK):
        out_copies[ci].wait()


def kernel(input, val_table):
    xt = input.T
    mesh = plsc.VectorSubcoreMesh(core_axis_name="c", subcore_axis_name="s")
    run = pl.kernel(
        _body,
        mesh=mesh,
        out_type=jax.ShapeDtypeStruct((_ROWS, _COLS), jnp.float32),
        scratch_types=[
            pltpu.VMEM((_ORDER,), jnp.float32),
            pltpu.VMEM((_NBUF, _CR, _CW), jnp.int32),
            pltpu.VMEM((_NBUF, _CR, _CW), jnp.float32),
            pltpu.SemaphoreType.DMA((_NBUF,)),
            pltpu.SemaphoreType.DMA((_NBUF,)),
        ],
        compiler_params=pltpu.CompilerParams(
            needs_layout_passes=False, use_tc_tiling_on_sc=True,
            skip_device_barrier=True),
    )
    return run(xt, val_table).T

# --- scband reference (transcript-rebuilt; emitter-appended) ---
"""Pipeline reference for scband-group-8091718385766 (READ-ONLY COPY).

The authoritative reference and input builder live on the scoring server;
editing this copy changes nothing except your own understanding.
"""

import jax, jax.numpy as jnp
import numpy as np

ORDER = 16
BATCH = 16384
HIST = 200


def setup_inputs(seed: int = 0) -> dict:
    key = jax.random.key(seed)
    k1, k2 = jax.random.split(key)
    inp = jax.random.randint(k1, (BATCH, HIST), 0, ORDER, dtype=jnp.int32)
    val_table = jax.random.normal(k2, (ORDER,), dtype=jnp.float32)
    return {"input": inp, "val_table": val_table}


def reference(input, val_table):
    # Group.forward: val_table[input]  (embedding-style gather from group
    # function value table, one value per group element index)
    assert val_table.shape[0] == ORDER
    return jnp.take(val_table, input, axis=0)

if __name__ == "__main__":
    import jax
    _d = setup_inputs()
    print(jax.jit(kernel)(*tuple(_d.values())))

</pallas_src>

<mosaic_0001>
#map = affine_map<(d0, d1) -> (0, 0)>
#map1 = affine_map<(d0, d1) -> (0)>
module attributes {stable_mosaic.version = 14 : i64} {
  func.func @_body(%arg0: i32, %arg1: i32, %arg2: memref<200x16384xi32, #tpu.memory_space<hbm>>, %arg3: memref<16xf32, #tpu.memory_space<hbm>>, %arg4: memref<200x16384xf32, #tpu.memory_space<hbm>>, %arg5: memref<16xf32, #tpu.memory_space<vmem>>, %arg6: memref<3x40x512xi32, #tpu.memory_space<vmem>>, %arg7: memref<3x40x512xf32, #tpu.memory_space<vmem>>, %arg8: memref<3x!tpu.dma_semaphore, #tpu.memory_space<semaphore_mem>>, %arg9: memref<3x!tpu.dma_semaphore, #tpu.memory_space<semaphore_mem>>) attributes {dimension_semantics = [#tpu.dimension_semantics<core_parallel>, #tpu.dimension_semantics<subcore_parallel>], iteration_bounds = array<i64: 2, 16>, scalar_prefetch = 0 : i64, scratch_operands = 5 : i64, tpu.core_type = #tpu.core_type<sc_vector_subcore>, window_params = [{transform_indices = #map}, {transform_indices = #map1}, {transform_indices = #map}]} {
    %mul3A = arith.constant 2 : i32
    %mul3A_0 = arith.muli %arg1, %mul3A : i32
    %add3A = arith.addi %mul3A_0, %arg0 : i32
    %mul3A_1 = arith.constant 512 : i32
    %mul3A_2 = arith.muli %add3A, %mul3A_1 : i32
    %dma_start3A = arith.constant 0 : i32
    %dma_start3A_3 = arith.constant 0 : i32
    %dma_start3A_4 = arith.constant 0 : i32
    %dma_start3A_5 = arith.constant 0 : i32
    %dma_start3A_6 = tpu.memref_slice %arg6[%dma_start3A, %dma_start3A_4, %dma_start3A_5] : memref<3x40x512xi32, #tpu.memory_space<vmem>> -> memref<1x8x512xi32, #tpu.memory_space<vmem>>
    %dma_start3A_7 = tpu.memref_squeeze %dma_start3A_6 : memref<1x8x512xi32, #tpu.memory_space<vmem>> -> memref<8x512xi32, #tpu.memory_space<vmem>>
    %dma_start3A_8 = arith.constant 0 : i32
    %dma_start3A_9 = tpu.memref_slice %arg2[%dma_start3A_8, %mul3A_2] : memref<200x16384xi32, #tpu.memory_space<hbm>> -> memref<8x512xi32, #tpu.memory_space<hbm>>
    %dma_start3A_10 = tpu.memref_slice %arg8[%dma_start3A_3] : memref<3x!tpu.dma_semaphore, #tpu.memory_space<semaphore_mem>> -> memref<1x!tpu.dma_semaphore, #tpu.memory_space<semaphore_mem>>
    %dma_start3A_11 = tpu.memref_squeeze %dma_start3A_10 : memref<1x!tpu.dma_semaphore, #tpu.memory_space<semaphore_mem>> -> memref<!tpu.dma_semaphore, #tpu.memory_space<semaphore_mem>>
    %dma_start3A_12 = arith.constant 0 : i32
    %dma_start3A_13 = arith.constant 0 : i32
    %dma_start3A_14 = tpu.memref_slice %arg6[%dma_start3A, %dma_start3A_12, %dma_start3A_13] : memref<3x40x512xi32, #tpu.memory_space<vmem>> -> memref<1x8x512xi32, #tpu.memory_space<vmem>>
    %dma_start3A_15 = tpu.memref_squeeze %dma_start3A_14 : memref<1x8x512xi32, #tpu.memory_space<vmem>> -> memref<8x512xi32, #tpu.memory_space<vmem>>
    %dma_start3A_16 = arith.constant 0 : i32
    %dma_start3A_17 = tpu.memref_slice %arg2[%dma_start3A_16, %mul3A_2] : memref<200x16384xi32, #tpu.memory_space<hbm>> -> memref<8x512xi32, #tpu.memory_space<hbm>>
    tpu.enqueue_dma source(%dma_start3A_17 : memref<8x512xi32, #tpu.memory_space<hbm>>) target(%dma_start3A_15 : memref<8x512xi32, #tpu.memory_space<vmem>>) target_semaphore(%dma_start3A_11 : memref<!tpu.dma_semaphore, #tpu.memory_space<semaphore_mem>>)
    %dma_start3A_18 = arith.constant 1 : i32
    %dma_start3A_19 = arith.constant 1 : i32
    %dma_start3A_20 = arith.constant 0 : i32
    %dma_start3A_21 = arith.constant 0 : i32
    %dma_start3A_22 = tpu.memref_slice %arg6[%dma_start3A_18, %dma_start3A_20, %dma_start3A_21] : memref<3x40x512xi32, #tpu.memory_space<vmem>> -> memref<1x40x512xi32, #tpu.memory_space<vmem>>
    %dma_start3A_23 = tpu.memref_squeeze %dma_start3A_22 : memref<1x40x512xi32, #tpu.memory_space<vmem>> -> memref<40x512xi32, #tpu.memory_space<vmem>>
    %dma_start3A_24 = arith.constant 8 : i32
    %dma_start3A_25 = tpu.memref_slice %arg2[%dma_start3A_24, %mul3A_2] : memref<200x16384xi32, #tpu.memory_space<hbm>> -> memref<40x512xi32, #tpu.memory_space<hbm>>
    %dma_start3A_26 = tpu.memref_slice %arg8[%dma_start3A_19] : memref<3x!tpu.dma_semaphore, #tpu.memory_space<semaphore_mem>> -> memref<1x!tpu.dma_semaphore, #tpu.memory_space<semaphore_mem>>
    %dma_start3A_27 = tpu.memref_squeeze %dma_start3A_26 : memref<1x!tpu.dma_semaphore, #tpu.memory_space<semaphore_mem>> -> memref<!tpu.dma_semaphore, #tpu.memory_space<semaphore_mem>>
    %dma_start3A_28 = arith.constant 0 : i32
    %dma_start3A_29 = arith.constant 0 : i32
    %dma_start3A_30 = tpu.memref_slice %arg6[%dma_start3A_18, %dma_start3A_28, %dma_start3A_29] : memref<3x40x512xi32, #tpu.memory_space<vmem>> -> memref<1x40x512xi32, #tpu.memory_space<vmem>>
    %dma_start3A_31 = tpu.memref_squeeze %dma_start3A_30 : memref<1x40x512xi32, #tpu.memory_space<vmem>> -> memref<40x512xi32, #tpu.memory_space<vmem>>
    %dma_start3A_32 = arith.constant 8 : i32
    %dma_start3A_33 = tpu.memref_slice %arg2[%dma_start3A_32, %mul3A_2] : memref<200x16384xi32, #tpu.memory_space<hbm>> -> memref<40x512xi32, #tpu.memory_space<hbm>>
    tpu.enqueue_dma source(%dma_start3A_33 : memref<40x512xi32, #tpu.memory_space<hbm>>) target(%dma_start3A_31 : memref<40x512xi32, #tpu.memory_space<vmem>>) target_semaphore(%dma_start3A_27 : memref<!tpu.dma_semaphore, #tpu.memory_space<semaphore_mem>>)
    %dma_start3A_34 = arith.constant 2 : i32
    %dma_start3A_35 = arith.constant 2 : i32
    %dma_start3A_36 = arith.constant 0 : i32
    %dma_start3A_37 = arith.constant 0 : i32
    %dma_start3A_38 = tpu.memref_slice %arg6[%dma_start3A_34, %dma_start3A_36, %dma_start3A_37] : memref<3x40x512xi32, #tpu.memory_space<vmem>> -> memref<1x40x512xi32, #tpu.memory_space<vmem>>
    %dma_start3A_39 = tpu.memref_squeeze %dma_start3A_38 : memref<1x40x512xi32, #tpu.memory_space<vmem>> -> memref<40x512xi32, #tpu.memory_space<vmem>>
    %dma_start3A_40 = arith.constant 48 : i32
    %dma_start3A_41 = tpu.memref_slice %arg2[%dma_start3A_40, %mul3A_2] : memref<200x16384xi32, #tpu.memory_space<hbm>> -> memref<40x512xi32, #tpu.memory_space<hbm>>
    %dma_start3A_42 = tpu.memref_slice %arg8[%dma_start3A_35] : memref<3x!tpu.dma_semaphore, #tpu.memory_space<semaphore_mem>> -> memref<1x!tpu.dma_semaphore, #tpu.memory_space<semaphore_mem>>
    %dma_start3A_43 = tpu.memref_squeeze %dma_start3A_42 : memref<1x!tpu.dma_semaphore, #tpu.memory_space<semaphore_mem>> -> memref<!tpu.dma_semaphore, #tpu.memory_space<semaphore_mem>>
    %dma_start3A_44 = arith.constant 0 : i32
    %dma_start3A_45 = arith.constant 0 : i32
    %dma_start3A_46 = tpu.memref_slice %arg6[%dma_start3A_34, %dma_start3A_44, %dma_start3A_45] : memref<3x40x512xi32, #tpu.memory_space<vmem>> -> memref<1x40x512xi32, #tpu.memory_space<vmem>>
    %dma_start3A_47 = tpu.memref_squeeze %dma_start3A_46 : memref<1x40x512xi32, #tpu.memory_space<vmem>> -> memref<40x512xi32, #tpu.memory_space<vmem>>
    %dma_start3A_48 = arith.constant 48 : i32
    %dma_start3A_49 = tpu.memref_slice %arg2[%dma_start3A_48, %mul3A_2] : memref<200x16384xi32, #tpu.memory_space<hbm>> -> memref<40x512xi32, #tpu.memory_space<hbm>>
    tpu.enqueue_dma source(%dma_start3A_49 : memref<40x512xi32, #tpu.memory_space<hbm>>) target(%dma_start3A_47 : memref<40x512xi32, #tpu.memory_space<vmem>>) target_semaphore(%dma_start3A_43 : memref<!tpu.dma_semaphore, #tpu.memory_space<semaphore_mem>>)
    "tpu.region"() ({
      %run_scoped3A = tpu.sem_alloc : memref<!tpu.dma_semaphore, #tpu.memory_space<semaphore_mem>>
      tpu.enqueue_dma source(%arg3 : memref<16xf32, #tpu.memory_space<hbm>>) target(%arg5 : memref<16xf32, #tpu.memory_space<vmem>>) target_semaphore(%run_scoped3A : memref<!tpu.dma_semaphore, #tpu.memory_space<semaphore_mem>>)
      tpu.wait_dma2 semaphore(%run_scoped3A : memref<!tpu.dma_semaphore, #tpu.memory_space<semaphore_mem>>) src(%arg3 : memref<16xf32, #tpu.memory_space<hbm>>) dst(%arg5 : memref<16xf32, #tpu.memory_space<vmem>>)
      tpu.yield
    }) : () -> ()
    %get3A = arith.constant 0 : index
    %get3A_50 = tpu.vector_load %arg5[%get3A] {strides = array<i32>} : memref<16xf32, #tpu.memory_space<vmem>>, vector<16xf32>,
    %dma_wait3A = arith.constant 0 : i32
    %dma_wait3A_51 = arith.constant 0 : i32
    %dma_wait3A_52 = arith.constant 0 : i32
    %dma_wait3A_53 = arith.constant 0 : i32
    %dma_wait3A_54 = tpu.memref_slice %arg6[%dma_wait3A, %dma_wait3A_52, %dma_wait3A_53] : memref<3x40x512xi32, #tpu.memory_space<vmem>> -> memref<1x8x512xi32, #tpu.memory_space<vmem>>
    %dma_wait3A_55 = tpu.memref_squeeze %dma_wait3A_54 : memref<1x8x512xi32, #tpu.memory_space<vmem>> -> memref<8x512xi32, #tpu.memory_space<vmem>>
    %dma_wait3A_56 = arith.constant 0 : i32
    %dma_wait3A_57 = tpu.memref_slice %arg2[%dma_wait3A_56, %mul3A_2] : memref<200x16384xi32, #tpu.memory_space<hbm>> -> memref<8x512xi32, #tpu.memory_space<hbm>>
    %dma_wait3A_58 = tpu.memref_slice %arg8[%dma_wait3A_51] : memref<3x!tpu.dma_semaphore, #tpu.memory_space<semaphore_mem>> -> memref<1x!tpu.dma_semaphore, #tpu.memory_space<semaphore_mem>>
    %dma_wait3A_59 = tpu.memref_squeeze %dma_wait3A_58 : memref<1x!tpu.dma_semaphore, #tpu.memory_space<semaphore_mem>> -> memref<!tpu.dma_semaphore, #tpu.memory_space<semaphore_mem>>
    %dma_wait3A_60 = arith.constant 0 : i32
    %dma_wait3A_61 = arith.constant 0 : i32
    %dma_wait3A_62 = tpu.memref_slice %arg6[%dma_wait3A, %dma_wait3A_60, %dma_wait3A_61] : memref<3x40x512xi32, #tpu.memory_space<vmem>> -> memref<1x8x512xi32, #tpu.memory_space<vmem>>
    %dma_wait3A_63 = tpu.memref_squeeze %dma_wait3A_62 : memref<1x8x512xi32, #tpu.memory_space<vmem>> -> memref<8x512xi32, #tpu.memory_space<vmem>>
    %dma_wait3A_64 = arith.constant 0 : i32
    %dma_wait3A_65 = tpu.memref_slice %arg2[%dma_wait3A_64, %mul3A_2] : memref<200x16384xi32, #tpu.memory_space<hbm>> -> memref<8x512xi32, #tpu.memory_space<hbm>>
    tpu.wait_dma2 semaphore(%dma_wait3A_59 : memref<!tpu.dma_semaphore, #tpu.memory_space<semaphore_mem>>) src(%dma_wait3A_65 : memref<8x512xi32, #tpu.memory_space<hbm>>) dst(%dma_wait3A_63 : memref<8x512xi32, #tpu.memory_space<vmem>>)
    %parallel_loop3A = arith.constant 0 : i32
    %parallel_loop3A_66 = arith.constant 256 : i32
    %parallel_loop3A_67 = arith.constant 1 : i32
    %parallel_loop3A_68 = arith.constant 0 : i32
    %parallel_loop3A_69 = arith.constant 0 : i32
    scf.for %parallel_loop3A_484 = %parallel_loop3A to %parallel_loop3A_66 step %parallel_loop3A_67  : i32 {
      %parallel_loop3A_485 = arith.constant 5 : i32
      %parallel_loop3A_486 = arith.shrui %parallel_loop3A_484, %parallel_loop3A_485 : i32
      %parallel_loop3A_487 = arith.constant 31 : i32
      %parallel_loop3A_488 = arith.andi %parallel_loop3A_484, %parallel_loop3A_487 : i32
      %parallel_loop3A_489 = arith.constant 4 : i32
      %parallel_loop3A_490 = arith.shli %parallel_loop3A_488, %parallel_loop3A_489 : i32
      %parallel_loop3A_491 = arith.constant 0 : i32
      %parallel_loop3A_492 = arith.constant 0 : i32
      %parallel_loop3A_493 = tpu.memref_slice %arg6[%parallel_loop3A_68, %parallel_loop3A_491, %parallel_loop3A_492] : memref<3x40x512xi32, #tpu.memory_space<vmem>> -> memref<1x40x512xi32, #tpu.memory_space<vmem>>
      %parallel_loop3A_494 = tpu.memref_squeeze %parallel_loop3A_493 : memref<1x40x512xi32, #tpu.memory_space<vmem>> -> memref<40x512xi32, #tpu.memory_space<vmem>>
      %parallel_loop3A_495 = arith.index_cast %parallel_loop3A_486 : i32 to index
      %parallel_loop3A_496 = arith.index_cast %parallel_loop3A_490 : i32 to index
      %parallel_loop3A_497 = tpu.vector_load %parallel_loop3A_494[%parallel_loop3A_495, %parallel_loop3A_496] {strides = array<i32>} : memref<40x512xi32, #tpu.memory_space<vmem>>, vector<16xi32>,
      %parallel_loop3A_498 = vector.shape_cast %parallel_loop3A_497 : vector<16xi32> to vector<16x1xi32>
      %parallel_loop3A_499 = vector.shape_cast %parallel_loop3A_498 : vector<16x1xi32> to vector<16xi32>
      %parallel_loop3A_500 = tpu.dynamic_gather %get3A_50[%parallel_loop3A_499] in [0] : vector<16xf32>, vector<16xi32> -> vector<16xf32>
      %parallel_loop3A_501 = arith.constant 0 : i32
      %parallel_loop3A_502 = arith.constant 0 : i32
      %parallel_loop3A_503 = tpu.memref_slice %arg7[%parallel_loop3A_69, %parallel_loop3A_501, %parallel_loop3A_502] : memref<3x40x512xf32, #tpu.memory_space<vmem>> -> memref<1x40x512xf32, #tpu.memory_space<vmem>>
      %parallel_loop3A_504 = tpu.memref_squeeze %parallel_loop3A_503 : memref<1x40x512xf32, #tpu.memory_space<vmem>> -> memref<40x512xf32, #tpu.memory_space<vmem>>
      %parallel_loop3A_505 = arith.index_cast %parallel_loop3A_486 : i32 to index
      %parallel_loop3A_506 = arith.index_cast %parallel_loop3A_490 : i32 to index
      %parallel_loop3A_507 = tpu.vector_load %parallel_loop3A_504[%parallel_loop3A_505, %parallel_loop3A_506] {strides = array<i32>} : memref<40x512xf32, #tpu.memory_space<vmem>>, vector<16xf32>,
      tpu.vector_store %parallel_loop3A_504[%parallel_loop3A_505, %parallel_loop3A_506], %parallel_loop3A_500 {strides = array<i32>} : memref<40x512xf32, #tpu.memory_space<vmem>>, vector<16xf32>,
    } {sc.loop_unroll_factor = 16 : i64, sc.parallel_access}
    %dma_start3A_70 = arith.constant 0 : i32
    %dma_start3A_71 = arith.constant 0 : i32
    %dma_start3A_72 = arith.constant 0 : i32
    %dma_start3A_73 = arith.constant 0 : i32
    %dma_start3A_74 = tpu.memref_slice %arg7[%dma_start3A_70, %dma_start3A_72, %dma_start3A_73] : memref<3x40x512xf32, #tpu.memory_space<vmem>> -> memref<1x8x512xf32, #tpu.memory_space<vmem>>
    %dma_start3A_75 = tpu.memref_squeeze %dma_start3A_74 : memref<1x8x512xf32, #tpu.memory_space<vmem>> -> memref<8x512xf32, #tpu.memory_space<vmem>>
    %dma_start3A_76 = arith.constant 0 : i32
    %dma_start3A_77 = tpu.memref_slice %arg4[%dma_start3A_76, %mul3A_2] : memref<200x16384xf32, #tpu.memory_space<hbm>> -> memref<8x512xf32, #tpu.memory_space<hbm>>
    %dma_start3A_78 = tpu.memref_slice %arg9[%dma_start3A_71] : memref<3x!tpu.dma_semaphore, #tpu.memory_space<semaphore_mem>> -> memref<1x!tpu.dma_semaphore, #tpu.memory_space<semaphore_mem>>
    %dma_start3A_79 = tpu.memref_squeeze %dma_start3A_78 : memref<1x!tpu.dma_semaphore, #tpu.memory_space<semaphore_mem>> -> memref<!tpu.dma_semaphore, #tpu.memory_space<semaphore_mem>>
    %dma_start3A_80 = arith.constant 0 : i32
    %dma_start3A_81 = tpu.memref_slice %arg4[%dma_start3A_80, %mul3A_2] : memref<200x16384xf32, #tpu.memory_space<hbm>> -> memref<8x512xf32, #tpu.memory_space<hbm>>
    %dma_start3A_82 = arith.constant 0 : i32
    %dma_start3A_83 = arith.constant 0 : i32
    %dma_start3A_84 = tpu.memref_slice %arg7[%dma_start3A_70, %dma_start3A_82, %dma_start3A_83] : memref<3x40x512xf32, #tpu.memory_space<vmem>> -> memref<1x8x512xf32, #tpu.memory_space<vmem>>
    %dma_start3A_85 = tpu.memref_squeeze %dma_start3A_84 : memref<1x8x512xf32, #tpu.memory_space<vmem>> -> memref<8x512xf32, #tpu.memory_space<vmem>>
    tpu.enqueue_dma source(%dma_start3A_85 : memref<8x512xf32, #tpu.memory_space<vmem>>) target(%dma_start3A_81 : memref<8x512xf32, #tpu.memory_space<hbm>>) target_semaphore(%dma_start3A_79 : memref<!tpu.dma_semaphore, #tpu.memory_space<semaphore_mem>>)
    %dma_start3A_86 = arith.constant 0 : i32
    %dma_start3A_87 = arith.constant 0 : i32
    %dma_start3A_88 = arith.constant 0 : i32
    %dma_start3A_89 = arith.constant 0 : i32
    %dma_start3A_90 = tpu.memref_slice %arg6[%dma_start3A_86, %dma_start3A_88, %dma_start3A_89] : memref<3x40x512xi32, #tpu.memory_space<vmem>> -> memref<1x40x512xi32, #tpu.memory_space<vmem>>
    %dma_start3A_91 = tpu.memref_squeeze %dma_start3A_90 : memref<1x40x512xi32, #tpu.memory_space<vmem>> -> memref<40x512xi32, #tpu.memory_space<vmem>>
    %dma_start3A_92 = arith.constant 88 : i32
    %dma_start3A_93 = tpu.memref_slice %arg2[%dma_start3A_92, %mul3A_2] : memref<200x16384xi32, #tpu.memory_space<hbm>> -> memref<40x512xi32, #tpu.memory_space<hbm>>
    %dma_start3A_94 = tpu.memref_slice %arg8[%dma_start3A_87] : memref<3x!tpu.dma_semaphore, #tpu.memory_space<semaphore_mem>> -> memref<1x!tpu.dma_semaphore, #tpu.memory_space<semaphore_mem>>
    %dma_start3A_95 = tpu.memref_squeeze %dma_start3A_94 : memref<1x!tpu.dma_semaphore, #tpu.memory_space<semaphore_mem>> -> memref<!tpu.dma_semaphore, #tpu.memory_space<semaphore_mem>>
    %dma_start3A_96 = arith.constant 0 : i32
    %dma_start3A_97 = arith.constant 0 : i32
    %dma_start3A_98 = tpu.memref_slice %arg6[%dma_start3A_86, %dma_start3A_96, %dma_start3A_97] : memref<3x40x512xi32, #tpu.memory_space<vmem>> -> memref<1x40x512xi32, #tpu.memory_space<vmem>>
    %dma_start3A_99 = tpu.memref_squeeze %dma_start3A_98 : memref<1x40x512xi32, #tpu.memory_space<vmem>> -> memref<40x512xi32, #tpu.memory_space<vmem>>
    %dma_start3A_100 = arith.constant 88 : i32
    %dma_start3A_101 = tpu.memref_slice %arg2[%dma_start3A_100, %mul3A_2] : memref<200x16384xi32, #tpu.memory_space<hbm>> -> memref<40x512xi32, #tpu.memory_space<hbm>>
    tpu.enqueue_dma source(%dma_start3A_101 : memref<40x512xi32, #tpu.memory_space<hbm>>) target(%dma_start3A_99 : memref<40x512xi32, #tpu.memory_space<vmem>>) target_semaphore(%dma_start3A_95 : memref<!tpu.dma_semaphore, #tpu.memory_space<semaphore_mem>>)
    %dma_wait3A_102 = arith.constant 1 : i32
    %dma_wait3A_103 = arith.constant 1 : i32
    %dma_wait3A_104 = arith.constant 0 : i32
    %dma_wait3A_105 = arith.constant 0 : i32
    %dma_wait3A_106 = tpu.memref_slice %arg6[%dma_wait3A_102, %dma_wait3A_104, %dma_wait3A_105] : memref<3x40x512xi32, #tpu.memory_space<vmem>> -> memref<1x40x512xi32, #tpu.memory_space<vmem>>
    %dma_wait3A_107 = tpu.memref_squeeze %dma_wait3A_106 : memref<1x40x512xi32, #tpu.memory_space<vmem>> -> memref<40x512xi32, #tpu.memory_space<vmem>>
    %dma_wait3A_108 = arith.constant 8 : i32
    %dma_wait3A_109 = tpu.memref_slice %arg2[%dma_wait3A_108, %mul3A_2] : memref<200x16384xi32, #tpu.memory_space<hbm>> -> memref<40x512xi32, #tpu.memory_space<hbm>>
    %dma_wait3A_110 = tpu.memref_slice %arg8[%dma_wait3A_103] : memref<3x!tpu.dma_semaphore, #tpu.memory_space<semaphore_mem>> -> memref<1x!tpu.dma_semaphore, #tpu.memory_space<semaphore_mem>>
    %dma_wait3A_111 = tpu.memref_squeeze %dma_wait3A_110 : memref<1x!tpu.dma_semaphore, #tpu.memory_space<semaphore_mem>> -> memref<!tpu.dma_semaphore, #tpu.memory_space<semaphore_mem>>
    %dma_wait3A_112 = arith.constant 0 : i32
    %dma_wait3A_113 = arith.constant 0 : i32
    %dma_wait3A_114 = tpu.memref_slice %arg6[%dma_wait3A_102, %dma_wait3A_112, %dma_wait3A_113] : memref<3x40x512xi32, #tpu.memory_space<vmem>> -> memref<1x40x512xi32, #tpu.memory_space<vmem>>
    %dma_wait3A_115 = tpu.memref_squeeze %dma_wait3A_114 : memref<1x40x512xi32, #tpu.memory_space<vmem>> -> memref<40x512xi32, #tpu.memory_space<vmem>>
    %dma_wait3A_116 = arith.constant 8 : i32
    %dma_wait3A_117 = tpu.memref_slice %arg2[%dma_wait3A_116, %mul3A_2] : memref<200x16384xi32, #tpu.memory_space<hbm>> -> memref<40x512xi32, #tpu.memory_space<hbm>>
    tpu.wait_dma2 semaphore(%dma_wait3A_111 : memref<!tpu.dma_semaphore, #tpu.memory_space<semaphore_mem>>) src(%dma_wait3A_117 : memref<40x512xi32, #tpu.memory_space<hbm>>) dst(%dma_wait3A_115 : memref<40x512xi32, #tpu.memory_space<vmem>>)
    %parallel_loop3A_118 = arith.constant 0 : i32
    %parallel_loop3A_119 = arith.constant 1280 : i32
    %parallel_loop3A_120 = arith.constant 1 : i32
    %parallel_loop3A_121 = arith.constant 1 : i32
    %parallel_loop3A_122 = arith.constant 1 : i32
    scf.for %parallel_loop3A_484 = %parallel_loop3A_118 to %parallel_loop3A_119 step %parallel_loop3A_120  : i32 {
      %parallel_loop3A_485 = arith.constant 5 : i32
      %parallel_loop3A_486 = arith.shrui %parallel_loop3A_484, %parallel_loop3A_485 : i32
      %parallel_loop3A_487 = arith.constant 31 : i32
      %parallel_loop3A_488 = arith.andi %parallel_loop3A_484, %parallel_loop3A_487 : i32
      %parallel_loop3A_489 = arith.constant 4 : i32
      %parallel_loop3A_490 = arith.shli %parallel_loop3A_488, %parallel_loop3A_489 : i32
      %parallel_loop3A_491 = arith.constant 0 : i32
      %parallel_loop3A_492 = arith.constant 0 : i32
      %parallel_loop3A_493 = tpu.memref_slice %arg6[%parallel_loop3A_121, %parallel_loop3A_491, %parallel_loop3A_492] : memref<3x40x512xi32, #tpu.memory_space<vmem>> -> memref<1x40x512xi32, #tpu.memory_space<vmem>>
      %parallel_loop3A_494 = tpu.memref_squeeze %parallel_loop3A_493 : memref<1x40x512xi32, #tpu.memory_space<vmem>> -> memref<40x512xi32, #tpu.memory_space<vmem>>
      %parallel_loop3A_495 = arith.index_cast %parallel_loop3A_486 : i32 to index
      %parallel_loop3A_496 = arith.index_cast %parallel_loop3A_490 : i32 to index
      %parallel_loop3A_497 = tpu.vector_load %parallel_loop3A_494[%parallel_loop3A_495, %parallel_loop3A_496] {strides = array<i32>} : memref<40x512xi32, #tpu.memory_space<vmem>>, vector<16xi32>,
      %parallel_loop3A_498 = vector.shape_cast %parallel_loop3A_497 : vector<16xi32> to vector<16x1xi32>
      %parallel_loop3A_499 = vector.shape_cast %parallel_loop3A_498 : vector<16x1xi32> to vector<16xi32>
      %parallel_loop3A_500 = tpu.dynamic_gather %get3A_50[%parallel_loop3A_499] in [0] : vector<16xf32>, vector<16xi32> -> vector<16xf32>
      %parallel_loop3A_501 = arith.constant 0 : i32
      %parallel_loop3A_502 = arith.constant 0 : i32
      %parallel_loop3A_503 = tpu.memref_slice %arg7[%parallel_loop3A_122, %parallel_loop3A_501, %parallel_loop3A_502] : memref<3x40x512xf32, #tpu.memory_space<vmem>> -> memref<1x40x512xf32, #tpu.memory_space<vmem>>
      %parallel_loop3A_504 = tpu.memref_squeeze %parallel_loop3A_503 : memref<1x40x512xf32, #tpu.memory_space<vmem>> -> memref<40x512xf32, #tpu.memory_space<vmem>>
      %parallel_loop3A_505 = arith.index_cast %parallel_loop3A_486 : i32 to index
      %parallel_loop3A_506 = arith.index_cast %parallel_loop3A_490 : i32 to index
      %parallel_loop3A_507 = tpu.vector_load %parallel_loop3A_504[%parallel_loop3A_505, %parallel_loop3A_506] {strides = array<i32>} : memref<40x512xf32, #tpu.memory_space<vmem>>, vector<16xf32>,
      tpu.vector_store %parallel_loop3A_504[%parallel_loop3A_505, %parallel_loop3A_506], %parallel_loop3A_500 {strides = array<i32>} : memref<40x512xf32, #tpu.memory_space<vmem>>, vector<16xf32>,
    } {sc.loop_unroll_factor = 16 : i64, sc.parallel_access}
    %dma_start3A_123 = arith.constant 1 : i32
    %dma_start3A_124 = arith.constant 1 : i32
    %dma_start3A_125 = arith.constant 0 : i32
    %dma_start3A_126 = arith.constant 0 : i32
    %dma_start3A_127 = tpu.memref_slice %arg7[%dma_start3A_123, %dma_start3A_125, %dma_start3A_126] : memref<3x40x512xf32, #tpu.memory_space<vmem>> -> memref<1x40x512xf32, #tpu.memory_space<vmem>>
    %dma_start3A_128 = tpu.memref_squeeze %dma_start3A_127 : memref<1x40x512xf32, #tpu.memory_space<vmem>> -> memref<40x512xf32, #tpu.memory_space<vmem>>
    %dma_start3A_129 = arith.constant 8 : i32
    %dma_start3A_130 = tpu.memref_slice %arg4[%dma_start3A_129, %mul3A_2] : memref<200x16384xf32, #tpu.memory_space<hbm>> -> memref<40x512xf32, #tpu.memory_space<hbm>>
    %dma_start3A_131 = tpu.memref_slice %arg9[%dma_start3A_124] : memref<3x!tpu.dma_semaphore, #tpu.memory_space<semaphore_mem>> -> memref<1x!tpu.dma_semaphore, #tpu.memory_space<semaphore_mem>>
    %dma_start3A_132 = tpu.memref_squeeze %dma_start3A_131 : memref<1x!tpu.dma_semaphore, #tpu.memory_space<semaphore_mem>> -> memref<!tpu.dma_semaphore, #tpu.memory_space<semaphore_mem>>
    %dma_start3A_133 = arith.constant 8 : i32
    %dma_start3A_134 = tpu.memref_slice %arg4[%dma_start3A_133, %mul3A_2] : memref<200x16384xf32, #tpu.memory_space<hbm>> -> memref<40x512xf32, #tpu.memory_space<hbm>>
    %dma_start3A_135 = arith.constant 0 : i32
    %dma_start3A_136 = arith.constant 0 : i32
    %dma_start3A_137 = tpu.memref_slice %arg7[%dma_start3A_123, %dma_start3A_135, %dma_start3A_136] : memref<3x40x512xf32, #tpu.memory_space<vmem>> -> memref<1x40x512xf32, #tpu.memory_space<vmem>>
    %dma_start3A_138 = tpu.memref_squeeze %dma_start3A_137 : memref<1x40x512xf32, #tpu.memory_space<vmem>> -> memref<40x512xf32, #tpu.memory_space<vmem>>
    tpu.enqueue_dma source(%dma_start3A_138 : memref<40x512xf32, #tpu.memory_space<vmem>>) target(%dma_start3A_134 : memref<40x512xf32, #tpu.memory_space<hbm>>) target_semaphore(%dma_start3A_132 : memref<!tpu.dma_semaphore, #tpu.memory_space<semaphore_mem>>)
    %dma_start3A_139 = arith.constant 1 : i32
    %dma_start3A_140 = arith.constant 1 : i32
    %dma_start3A_141 = arith.constant 0 : i32
    %dma_start3A_142 = arith.constant 0 : i32
    %dma_start3A_143 = tpu.memref_slice %arg6[%dma_start3A_139, %dma_start3A_141, %dma_start3A_142] : memref<3x40x512xi32, #tpu.memory_space<vmem>> -> memref<1x40x512xi32, #tpu.memory_space<vmem>>
    %dma_start3A_144 = tpu.memref_squeeze %dma_start3A_143 : memref<1x40x512xi32, #tpu.memory_space<vmem>> -> memref<40x512xi32, #tpu.memory_space<vmem>>
    %dma_start3A_145 = arith.constant 128 : i32
    %dma_start3A_146 = tpu.memref_slice %arg2[%dma_start3A_145, %mul3A_2] : memref<200x16384xi32, #tpu.memory_space<hbm>> -> memref<40x512xi32, #tpu.memory_space<hbm>>
    %dma_start3A_147 = tpu.memref_slice %arg8[%dma_start3A_140] : memref<3x!tpu.dma_semaphore, #tpu.memory_space<semaphore_mem>> -> memref<1x!tpu.dma_semaphore, #tpu.memory_space<semaphore_mem>>
    %dma_start3A_148 = tpu.memref_squeeze %dma_start3A_147 : memref<1x!tpu.dma_semaphore, #tpu.memory_space<semaphore_mem>> -> memref<!tpu.dma_semaphore, #tpu.memory_space<semaphore_mem>>
    %dma_start3A_149 = arith.constant 0 : i32
    %dma_start3A_150 = arith.constant 0 : i32
    %dma_start3A_151 = tpu.memref_slice %arg6[%dma_start3A_139, %dma_start3A_149, %dma_start3A_150] : memref<3x40x512xi32, #tpu.memory_space<vmem>> -> memref<1x40x512xi32, #tpu.memory_space<vmem>>
    %dma_start3A_152 = tpu.memref_squeeze %dma_start3A_151 : memref<1x40x512xi32, #tpu.memory_space<vmem>> -> memref<40x512xi32, #tpu.memory_space<vmem>>
    %dma_start3A_153 = arith.constant 128 : i32
    %dma_start3A_154 = tpu.memref_slice %arg2[%dma_start3A_153, %mul3A_2] : memref<200x16384xi32, #tpu.memory_space<hbm>> -> memref<40x512xi32, #tpu.memory_space<hbm>>
    tpu.enqueue_dma source(%dma_start3A_154 : memref<40x512xi32, #tpu.memory_space<hbm>>) target(%dma_start3A_152 : memref<40x512xi32, #tpu.memory_space<vmem>>) target_semaphore(%dma_start3A_148 : memref<!tpu.dma_semaphore, #tpu.memory_space<semaphore_mem>>)
    %dma_wait3A_155 = arith.constant 2 : i32
    %dma_wait3A_156 = arith.constant 2 : i32
    %dma_wait3A_157 = arith.constant 0 : i32
    %dma_wait3A_158 = arith.constant 0 : i32
    %dma_wait3A_159 = tpu.memref_slice %arg6[%dma_wait3A_155, %dma_wait3A_157, %dma_wait3A_158] : memref<3x40x512xi32, #tpu.memory_space<vmem>> -> memref<1x40x512xi32, #tpu.memory_space<vmem>>
    %dma_wait3A_160 = tpu.memref_squeeze %dma_wait3A_159 : memref<1x40x512xi32, #tpu.memory_space<vmem>> -> memref<40x512xi32, #tpu.memory_space<vmem>>
    %dma_wait3A_161 = arith.constant 48 : i32
    %dma_wait3A_162 = tpu.memref_slice %arg2[%dma_wait3A_161, %mul3A_2] : memref<200x16384xi32, #tpu.memory_space<hbm>> -> memref<40x512xi32, #tpu.memory_space<hbm>>
    %dma_wait3A_163 = tpu.memref_slice %arg8[%dma_wait3A_156] : memref<3x!tpu.dma_semaphore, #tpu.memory_space<semaphore_mem>> -> memref<1x!tpu.dma_semaphore, #tpu.memory_space<semaphore_mem>>
    %dma_wait3A_164 = tpu.memref_squeeze %dma_wait3A_163 : memref<1x!tpu.dma_semaphore, #tpu.memory_space<semaphore_mem>> -> memref<!tpu.dma_semaphore, #tpu.memory_space<semaphore_mem>>
    %dma_wait3A_165 = arith.constant 0 : i32
    %dma_wait3A_166 = arith.constant 0 : i32
    %dma_wait3A_167 = tpu.memref_slice %arg6[%dma_wait3A_155, %dma_wait3A_165, %dma_wait3A_166] : memref<3x40x512xi32, #tpu.memory_space<vmem>> -> memref<1x40x512xi32, #tpu.memory_space<vmem>>
    %dma_wait3A_168 = tpu.memref_squeeze %dma_wait3A_167 : memref<1x40x512xi32, #tpu.memory_space<vmem>> -> memref<40x512xi32, #tpu.memory_space<vmem>>
    %dma_wait3A_169 = arith.constant 48 : i32
    %dma_wait3A_170 = tpu.memref_slice %arg2[%dma_wait3A_169, %mul3A_2] : memref<200x16384xi32, #tpu.memory_space<hbm>> -> memref<40x512xi32, #tpu.memory_space<hbm>>
    tpu.wait_dma2 semaphore(%dma_wait3A_164 : memref<!tpu.dma_semaphore, #tpu.memory_space<semaphore_mem>>) src(%dma_wait3A_170 : memref<40x512xi32, #tpu.memory_space<hbm>>) dst(%dma_wait3A_168 : memref<40x512xi32, #tpu.memory_space<vmem>>)
    %parallel_loop3A_171 = arith.constant 0 : i32
    %parallel_loop3A_172 = arith.constant 1280 : i32
    %parallel_loop3A_173 = arith.constant 1 : i32
    %parallel_loop3A_174 = arith.constant 2 : i32
    %parallel_loop3A_175 = arith.constant 2 : i32
    scf.for %parallel_loop3A_484 = %parallel_loop3A_171 to %parallel_loop3A_172 step %parallel_loop3A_173  : i32 {
      %parallel_loop3A_485 = arith.constant 5 : i32
      %parallel_loop3A_486 = arith.shrui %parallel_loop3A_484, %parallel_loop3A_485 : i32
      %parallel_loop3A_487 = arith.constant 31 : i32
      %parallel_loop3A_488 = arith.andi %parallel_loop3A_484, %parallel_loop3A_487 : i32
      %parallel_loop3A_489 = arith.constant 4 : i32
      %parallel_loop3A_490 = arith.shli %parallel_loop3A_488, %parallel_loop3A_489 : i32
      %parallel_loop3A_491 = arith.constant 0 : i32
      %parallel_loop3A_492 = arith.constant 0 : i32
      %parallel_loop3A_493 = tpu.memref_slice %arg6[%parallel_loop3A_174, %parallel_loop3A_491, %parallel_loop3A_492] : memref<3x40x512xi32, #tpu.memory_space<vmem>> -> memref<1x40x512xi32, #tpu.memory_space<vmem>>
      %parallel_loop3A_494 = tpu.memref_squeeze %parallel_loop3A_493 : memref<1x40x512xi32, #tpu.memory_space<vmem>> -> memref<40x512xi32, #tpu.memory_space<vmem>>
      %parallel_loop3A_495 = arith.index_cast %parallel_loop3A_486 : i32 to index
      %parallel_loop3A_496 = arith.index_cast %parallel_loop3A_490 : i32 to index
      %parallel_loop3A_497 = tpu.vector_load %parallel_loop3A_494[%parallel_loop3A_495, %parallel_loop3A_496] {strides = array<i32>} : memref<40x512xi32, #tpu.memory_space<vmem>>, vector<16xi32>,
      %parallel_loop3A_498 = vector.shape_cast %parallel_loop3A_497 : vector<16xi32> to vector<16x1xi32>
      %parallel_loop3A_499 = vector.shape_cast %parallel_loop3A_498 : vector<16x1xi32> to vector<16xi32>
      %parallel_loop3A_500 = tpu.dynamic_gather %get3A_50[%parallel_loop3A_499] in [0] : vector<16xf32>, vector<16xi32> -> vector<16xf32>
      %parallel_loop3A_501 = arith.constant 0 : i32
      %parallel_loop3A_502 = arith.constant 0 : i32
      %parallel_loop3A_503 = tpu.memref_slice %arg7[%parallel_loop3A_175, %parallel_loop3A_501, %parallel_loop3A_502] : memref<3x40x512xf32, #tpu.memory_space<vmem>> -> memref<1x40x512xf32, #tpu.memory_space<vmem>>
      %parallel_loop3A_504 = tpu.memref_squeeze %parallel_loop3A_503 : memref<1x40x512xf32, #tpu.memory_space<vmem>> -> memref<40x512xf32, #tpu.memory_space<vmem>>
      %parallel_loop3A_505 = arith.index_cast %parallel_loop3A_486 : i32 to index
      %parallel_loop3A_506 = arith.index_cast %parallel_loop3A_490 : i32 to index
      %parallel_loop3A_507 = tpu.vector_load %parallel_loop3A_504[%parallel_loop3A_505, %parallel_loop3A_506] {strides = array<i32>} : memref<40x512xf32, #tpu.memory_space<vmem>>, vector<16xf32>,
      tpu.vector_store %parallel_loop3A_504[%parallel_loop3A_505, %parallel_loop3A_506], %parallel_loop3A_500 {strides = array<i32>} : memref<40x512xf32, #tpu.memory_space<vmem>>, vector<16xf32>,
    } {sc.loop_unroll_factor = 16 : i64, sc.parallel_access}
    %dma_start3A_176 = arith.constant 2 : i32
    %dma_start3A_177 = arith.constant 2 : i32
    %dma_start3A_178 = arith.constant 0 : i32
    %dma_start3A_179 = arith.constant 0 : i32
    %dma_start3A_180 = tpu.memref_slice %arg7[%dma_start3A_176, %dma_start3A_178, %dma_start3A_179] : memref<3x40x512xf32, #tpu.memory_space<vmem>> -> memref<1x40x512xf32, #tpu.memory_space<vmem>>
    %dma_start3A_181 = tpu.memref_squeeze %dma_start3A_180 : memref<1x40x512xf32, #tpu.memory_space<vmem>> -> memref<40x512xf32, #tpu.memory_space<vmem>>
    %dma_start3A_182 = arith.constant 48 : i32
    %dma_start3A_183 = tpu.memref_slice %arg4[%dma_start3A_182, %mul3A_2] : memref<200x16384xf32, #tpu.memory_space<hbm>> -> memref<40x512xf32, #tpu.memory_space<hbm>>
    %dma_start3A_184 = tpu.memref_slice %arg9[%dma_start3A_177] : memref<3x!tpu.dma_semaphore, #tpu.memory_space<semaphore_mem>> -> memref<1x!tpu.dma_semaphore, #tpu.memory_space<semaphore_mem>>
    %dma_start3A_185 = tpu.memref_squeeze %dma_start3A_184 : memref<1x!tpu.dma_semaphore, #tpu.memory_space<semaphore_mem>> -> memref<!tpu.dma_semaphore, #tpu.memory_space<semaphore_mem>>
    %dma_start3A_186 = arith.constant 48 : i32
    %dma_start3A_187 = tpu.memref_slice %arg4[%dma_start3A_186, %mul3A_2] : memref<200x16384xf32, #tpu.memory_space<hbm>> -> memref<40x512xf32, #tpu.memory_space<hbm>>
    %dma_start3A_188 = arith.constant 0 : i32
    %dma_start3A_189 = arith.constant 0 : i32
    %dma_start3A_190 = tpu.memref_slice %arg7[%dma_start3A_176, %dma_start3A_188, %dma_start3A_189] : memref<3x40x512xf32, #tpu.memory_space<vmem>> -> memref<1x40x512xf32, #tpu.memory_space<vmem>>
    %dma_start3A_191 = tpu.memref_squeeze %dma_start3A_190 : memref<1x40x512xf32, #tpu.memory_space<vmem>> -> memref<40x512xf32, #tpu.memory_space<vmem>>
    tpu.enqueue_dma source(%dma_start3A_191 : memref<40x512xf32, #tpu.memory_space<vmem>>) target(%dma_start3A_187 : memref<40x512xf32, #tpu.memory_space<hbm>>) target_semaphore(%dma_start3A_185 : memref<!tpu.dma_semaphore, #tpu.memory_space<semaphore_mem>>)
    %dma_start3A_192 = arith.constant 2 : i32
    %dma_start3A_193 = arith.constant 2 : i32
    %dma_start3A_194 = arith.constant 0 : i32
    %dma_start3A_195 = arith.constant 0 : i32
    %dma_start3A_196 = tpu.memref_slice %arg6[%dma_start3A_192, %dma_start3A_194, %dma_start3A_195] : memref<3x40x512xi32, #tpu.memory_space<vmem>> -> memref<1x24x512xi32, #tpu.memory_space<vmem>>
    %dma_start3A_197 = tpu.memref_squeeze %dma_start3A_196 : memref<1x24x512xi32, #tpu.memory_space<vmem>> -> memref<24x512xi32, #tpu.memory_space<vmem>>
    %dma_start3A_198 = arith.constant 168 : i32
    %dma_start3A_199 = tpu.memref_slice %arg2[%dma_start3A_198, %mul3A_2] : memref<200x16384xi32, #tpu.memory_space<hbm>> -> memref<24x512xi32, #tpu.memory_space<hbm>>
    %dma_start3A_200 = tpu.memref_slice %arg8[%dma_start3A_193] : memref<3x!tpu.dma_semaphore, #tpu.memory_space<semaphore_mem>> -> memref<1x!tpu.dma_semaphore, #tpu.memory_space<semaphore_mem>>
    %dma_start3A_201 = tpu.memref_squeeze %dma_start3A_200 : memref<1x!tpu.dma_semaphore, #tpu.memory_space<semaphore_mem>> -> memref<!tpu.dma_semaphore, #tpu.memory_space<semaphore_mem>>
    %dma_start3A_202 = arith.constant 0 : i32
    %dma_start3A_203 = arith.constant 0 : i32
    %dma_start3A_204 = tpu.memref_slice %arg6[%dma_start3A_192, %dma_start3A_202, %dma_start3A_203] : memref<3x40x512xi32, #tpu.memory_space<vmem>> -> memref<1x24x512xi32, #tpu.memory_space<vmem>>
    %dma_start3A_205 = tpu.memref_squeeze %dma_start3A_204 : memref<1x24x512xi32, #tpu.memory_space<vmem>> -> memref<24x512xi32, #tpu.memory_space<vmem>>
    %dma_start3A_206 = arith.constant 168 : i32
    %dma_start3A_207 = tpu.memref_slice %arg2[%dma_start3A_206, %mul3A_2] : memref<200x16384xi32, #tpu.memory_space<hbm>> -> memref<24x512xi32, #tpu.memory_space<hbm>>
    tpu.enqueue_dma source(%dma_start3A_207 : memref<24x512xi32, #tpu.memory_space<hbm>>) target(%dma_start3A_205 : memref<24x512xi32, #tpu.memory_space<vmem>>) target_semaphore(%dma_start3A_201 : memref<!tpu.dma_semaphore, #tpu.memory_space<semaphore_mem>>)
    %dma_wait3A_208 = arith.constant 0 : i32
    %dma_wait3A_209 = arith.constant 0 : i32
    %dma_wait3A_210 = arith.constant 0 : i32
    %dma_wait3A_211 = arith.constant 0 : i32
    %dma_wait3A_212 = tpu.memref_slice %arg6[%dma_wait3A_208, %dma_wait3A_210, %dma_wait3A_211] : memref<3x40x512xi32, #tpu.memory_space<vmem>> -> memref<1x40x512xi32, #tpu.memory_space<vmem>>
    %dma_wait3A_213 = tpu.memref_squeeze %dma_wait3A_212 : memref<1x40x512xi32, #tpu.memory_space<vmem>> -> memref<40x512xi32, #tpu.memory_space<vmem>>
    %dma_wait3A_214 = arith.constant 88 : i32
    %dma_wait3A_215 = tpu.memref_slice %arg2[%dma_wait3A_214, %mul3A_2] : memref<200x16384xi32, #tpu.memory_space<hbm>> -> memref<40x512xi32, #tpu.memory_space<hbm>>
    %dma_wait3A_216 = tpu.memref_slice %arg8[%dma_wait3A_209] : memref<3x!tpu.dma_semaphore, #tpu.memory_space<semaphore_mem>> -> memref<1x!tpu.dma_semaphore, #tpu.memory_space<semaphore_mem>>
    %dma_wait3A_217 = tpu.memref_squeeze %dma_wait3A_216 : memref<1x!tpu.dma_semaphore, #tpu.memory_space<semaphore_mem>> -> memref<!tpu.dma_semaphore, #tpu.memory_space<semaphore_mem>>
    %dma_wait3A_218 = arith.constant 0 : i32
    %dma_wait3A_219 = arith.constant 0 : i32
    %dma_wait3A_220 = tpu.memref_slice %arg6[%dma_wait3A_208, %dma_wait3A_218, %dma_wait3A_219] : memref<3x40x512xi32, #tpu.memory_space<vmem>> -> memref<1x40x512xi32, #tpu.memory_space<vmem>>
    %dma_wait3A_221 = tpu.memref_squeeze %dma_wait3A_220 : memref<1x40x512xi32, #tpu.memory_space<vmem>> -> memref<40x512xi32, #tpu.memory_space<vmem>>
    %dma_wait3A_222 = arith.constant 88 : i32
    %dma_wait3A_223 = tpu.memref_slice %arg2[%dma_wait3A_222, %mul3A_2] : memref<200x16384xi32, #tpu.memory_space<hbm>> -> memref<40x512xi32, #tpu.memory_space<hbm>>
    tpu.wait_dma2 semaphore(%dma_wait3A_217 : memref<!tpu.dma_semaphore, #tpu.memory_space<semaphore_mem>>) src(%dma_wait3A_223 : memref<40x512xi32, #tpu.memory_space<hbm>>) dst(%dma_wait3A_221 : memref<40x512xi32, #tpu.memory_space<vmem>>)
    %dma_wait3A_224 = arith.constant 0 : i32
    %dma_wait3A_225 = arith.constant 0 : i32
    %dma_wait3A_226 = arith.constant 0 : i32
    %dma_wait3A_227 = arith.constant 0 : i32
    %dma_wait3A_228 = tpu.memref_slice %arg7[%dma_wait3A_224, %dma_wait3A_226, %dma_wait3A_227] : memref<3x40x512xf32, #tpu.memory_space<vmem>> -> memref<1x8x512xf32, #tpu.memory_space<vmem>>
    %dma_wait3A_229 = tpu.memref_squeeze %dma_wait3A_228 : memref<1x8x512xf32, #tpu.memory_space<vmem>> -> memref<8x512xf32, #tpu.memory_space<vmem>>
    %dma_wait3A_230 = arith.constant 0 : i32
    %dma_wait3A_231 = tpu.memref_slice %arg4[%dma_wait3A_230, %mul3A_2] : memref<200x16384xf32, #tpu.memory_space<hbm>> -> memref<8x512xf32, #tpu.memory_space<hbm>>
    %dma_wait3A_232 = tpu.memref_slice %arg9[%dma_wait3A_225] : memref<3x!tpu.dma_semaphore, #tpu.memory_space<semaphore_mem>> -> memref<1x!tpu.dma_semaphore, #tpu.memory_space<semaphore_mem>>
    %dma_wait3A_233 = tpu.memref_squeeze %dma_wait3A_232 : memref<1x!tpu.dma_semaphore, #tpu.memory_space<semaphore_mem>> -> memref<!tpu.dma_semaphore, #tpu.memory_space<semaphore_mem>>
    %dma_wait3A_234 = arith.constant 0 : i32
    %dma_wait3A_235 = tpu.memref_slice %arg4[%dma_wait3A_234, %mul3A_2] : memref<200x16384xf32, #tpu.memory_space<hbm>> -> memref<8x512xf32, #tpu.memory_space<hbm>>
    %dma_wait3A_236 = arith.constant 0 : i32
    %dma_wait3A_237 = arith.constant 0 : i32
    %dma_wait3A_238 = tpu.memref_slice %arg7[%dma_wait3A_224, %dma_wait3A_236, %dma_wait3A_237] : memref<3x40x512xf32, #tpu.memory_space<vmem>> -> memref<1x8x512xf32, #tpu.memory_space<vmem>>
    %dma_wait3A_239 = tpu.memref_squeeze %dma_wait3A_238 : memref<1x8x512xf32, #tpu.memory_space<vmem>> -> memref<8x512xf32, #tpu.memory_space<vmem>>
    tpu.wait_dma2 semaphore(%dma_wait3A_233 : memref<!tpu.dma_semaphore, #tpu.memory_space<semaphore_mem>>) src(%dma_wait3A_239 : memref<8x512xf32, #tpu.memory_space<vmem>>) dst(%dma_wait3A_235 : memref<8x512xf32, #tpu.memory_space<hbm>>)
    %parallel_loop3A_240 = arith.constant 0 : i32
    %parallel_loop3A_241 = arith.constant 1280 : i32
    %parallel_loop3A_242 = arith.constant 1 : i32
    %parallel_loop3A_243 = arith.constant 0 : i32
    %parallel_loop3A_244 = arith.constant 0 : i32
    scf.for %parallel_loop3A_484 = %parallel_loop3A_240 to %parallel_loop3A_241 step %parallel_loop3A_242  : i32 {
      %parallel_loop3A_485 = arith.constant 5 : i32
      %parallel_loop3A_486 = arith.shrui %parallel_loop3A_484, %parallel_loop3A_485 : i32
      %parallel_loop3A_487 = arith.constant 31 : i32
      %parallel_loop3A_488 = arith.andi %parallel_loop3A_484, %parallel_loop3A_487 : i32
      %parallel_loop3A_489 = arith.constant 4 : i32
      %parallel_loop3A_490 = arith.shli %parallel_loop3A_488, %parallel_loop3A_489 : i32
      %parallel_loop3A_491 = arith.constant 0 : i32
      %parallel_loop3A_492 = arith.constant 0 : i32
      %parallel_loop3A_493 = tpu.memref_slice %arg6[%parallel_loop3A_243, %parallel_loop3A_491, %parallel_loop3A_492] : memref<3x40x512xi32, #tpu.memory_space<vmem>> -> memref<1x40x512xi32, #tpu.memory_space<vmem>>
      %parallel_loop3A_494 = tpu.memref_squeeze %parallel_loop3A_493 : memref<1x40x512xi32, #tpu.memory_space<vmem>> -> memref<40x512xi32, #tpu.memory_space<vmem>>
      %parallel_loop3A_495 = arith.index_cast %parallel_loop3A_486 : i32 to index
      %parallel_loop3A_496 = arith.index_cast %parallel_loop3A_490 : i32 to index
      %parallel_loop3A_497 = tpu.vector_load %parallel_loop3A_494[%parallel_loop3A_495, %parallel_loop3A_496] {strides = array<i32>} : memref<40x512xi32, #tpu.memory_space<vmem>>, vector<16xi32>,
      %parallel_loop3A_498 = vector.shape_cast %parallel_loop3A_497 : vector<16xi32> to vector<16x1xi32>
      %parallel_loop3A_499 = vector.shape_cast %parallel_loop3A_498 : vector<16x1xi32> to vector<16xi32>
      %parallel_loop3A_500 = tpu.dynamic_gather %get3A_50[%parallel_loop3A_499] in [0] : vector<16xf32>, vector<16xi32> -> vector<16xf32>
      %parallel_loop3A_501 = arith.constant 0 : i32
      %parallel_loop3A_502 = arith.constant 0 : i32
      %parallel_loop3A_503 = tpu.memref_slice %arg7[%parallel_loop3A_244, %parallel_loop3A_501, %parallel_loop3A_502] : memref<3x40x512xf32, #tpu.memory_space<vmem>> -> memref<1x40x512xf32, #tpu.memory_space<vmem>>
      %parallel_loop3A_504 = tpu.memref_squeeze %parallel_loop3A_503 : memref<1x40x512xf32, #tpu.memory_space<vmem>> -> memref<40x512xf32, #tpu.memory_space<vmem>>
      %parallel_loop3A_505 = arith.index_cast %parallel_loop3A_486 : i32 to index
      %parallel_loop3A_506 = arith.index_cast %parallel_loop3A_490 : i32 to index
      %parallel_loop3A_507 = tpu.vector_load %parallel_loop3A_504[%parallel_loop3A_505, %parallel_loop3A_506] {strides = array<i32>} : memref<40x512xf32, #tpu.memory_space<vmem>>, vector<16xf32>,
      tpu.vector_store %parallel_loop3A_504[%parallel_loop3A_505, %parallel_loop3A_506], %parallel_loop3A_500 {strides = array<i32>} : memref<40x512xf32, #tpu.memory_space<vmem>>, vector<16xf32>,
    } {sc.loop_unroll_factor = 16 : i64, sc.parallel_access}
    %dma_start3A_245 = arith.constant 0 : i32
    %dma_start3A_246 = arith.constant 0 : i32
    %dma_start3A_247 = arith.constant 0 : i32
    %dma_start3A_248 = arith.constant 0 : i32
    %dma_start3A_249 = tpu.memref_slice %arg7[%dma_start3A_245, %dma_start3A_247, %dma_start3A_248] : memref<3x40x512xf32, #tpu.memory_space<vmem>> -> memref<1x40x512xf32, #tpu.memory_space<vmem>>
    %dma_start3A_250 = tpu.memref_squeeze %dma_start3A_249 : memref<1x40x512xf32, #tpu.memory_space<vmem>> -> memref<40x512xf32, #tpu.memory_space<vmem>>
    %dma_start3A_251 = arith.constant 88 : i32
    %dma_start3A_252 = tpu.memref_slice %arg4[%dma_start3A_251, %mul3A_2] : memref<200x16384xf32, #tpu.memory_space<hbm>> -> memref<40x512xf32, #tpu.memory_space<hbm>>
    %dma_start3A_253 = tpu.memref_slice %arg9[%dma_start3A_246] : memref<3x!tpu.dma_semaphore, #tpu.memory_space<semaphore_mem>> -> memref<1x!tpu.dma_semaphore, #tpu.memory_space<semaphore_mem>>
    %dma_start3A_254 = tpu.memref_squeeze %dma_start3A_253 : memref<1x!tpu.dma_semaphore, #tpu.memory_space<semaphore_mem>> -> memref<!tpu.dma_semaphore, #tpu.memory_space<semaphore_mem>>
    %dma_start3A_255 = arith.constant 88 : i32
    %dma_start3A_256 = tpu.memref_slice %arg4[%dma_start3A_255, %mul3A_2] : memref<200x16384xf32, #tpu.memory_space<hbm>> -> memref<40x512xf32, #tpu.memory_space<hbm>>
    %dma_start3A_257 = arith.constant 0 : i32
    %dma_start3A_258 = arith.constant 0 : i32
    %dma_start3A_259 = tpu.memref_slice %arg7[%dma_start3A_245, %dma_start3A_257, %dma_start3A_258] : memref<3x40x512xf32, #tpu.memory_space<vmem>> -> memref<1x40x512xf32, #tpu.memory_space<vmem>>
    %dma_start3A_260 = tpu.memref_squeeze %dma_start3A_259 : memref<1x40x512xf32, #tpu.memory_space<vmem>> -> memref<40x512xf32, #tpu.memory_space<vmem>>
    tpu.enqueue_dma source(%dma_start3A_260 : memref<40x512xf32, #tpu.memory_space<vmem>>) target(%dma_start3A_256 : memref<40x512xf32, #tpu.memory_space<hbm>>) target_semaphore(%dma_start3A_254 : memref<!tpu.dma_semaphore, #tpu.memory_space<semaphore_mem>>)
    %dma_start3A_261 = arith.constant 0 : i32
    %dma_start3A_262 = arith.constant 0 : i32
    %dma_start3A_263 = arith.constant 0 : i32
    %dma_start3A_264 = arith.constant 0 : i32
    %dma_start3A_265 = tpu.memref_slice %arg6[%dma_start3A_261, %dma_start3A_263, %dma_start3A_264] : memref<3x40x512xi32, #tpu.memory_space<vmem>> -> memref<1x8x512xi32, #tpu.memory_space<vmem>>
    %dma_start3A_266 = tpu.memref_squeeze %dma_start3A_265 : memref<1x8x512xi32, #tpu.memory_space<vmem>> -> memref<8x512xi32, #tpu.memory_space<vmem>>
    %dma_start3A_267 = arith.constant 192 : i32
    %dma_start3A_268 = tpu.memref_slice %arg2[%dma_start3A_267, %mul3A_2] : memref<200x16384xi32, #tpu.memory_space<hbm>> -> memref<8x512xi32, #tpu.memory_space<hbm>>
    %dma_start3A_269 = tpu.memref_slice %arg8[%dma_start3A_262] : memref<3x!tpu.dma_semaphore, #tpu.memory_space<semaphore_mem>> -> memref<1x!tpu.dma_semaphore, #tpu.memory_space<semaphore_mem>>
    %dma_start3A_270 = tpu.memref_squeeze %dma_start3A_269 : memref<1x!tpu.dma_semaphore, #tpu.memory_space<semaphore_mem>> -> memref<!tpu.dma_semaphore, #tpu.memory_space<semaphore_mem>>
    %dma_start3A_271 = arith.constant 0 : i32
    %dma_start3A_272 = arith.constant 0 : i32
    %dma_start3A_273 = tpu.memref_slice %arg6[%dma_start3A_261, %dma_start3A_271, %dma_start3A_272] : memref<3x40x512xi32, #tpu.memory_space<vmem>> -> memref<1x8x512xi32, #tpu.memory_space<vmem>>
    %dma_start3A_274 = tpu.memref_squeeze %dma_start3A_273 : memref<1x8x512xi32, #tpu.memory_space<vmem>> -> memref<8x512xi32, #tpu.memory_space<vmem>>
    %dma_start3A_275 = arith.constant 192 : i32
    %dma_start3A_276 = tpu.memref_slice %arg2[%dma_start3A_275, %mul3A_2] : memref<200x16384xi32, #tpu.memory_space<hbm>> -> memref<8x512xi32, #tpu.memory_space<hbm>>
    tpu.enqueue_dma source(%dma_start3A_276 : memref<8x512xi32, #tpu.memory_space<hbm>>) target(%dma_start3A_274 : memref<8x512xi32, #tpu.memory_space<vmem>>) target_semaphore(%dma_start3A_270 : memref<!tpu.dma_semaphore, #tpu.memory_space<semaphore_mem>>)
    %dma_wait3A_277 = arith.constant 1 : i32
    %dma_wait3A_278 = arith.constant 1 : i32
    %dma_wait3A_279 = arith.constant 0 : i32
    %dma_wait3A_280 = arith.constant 0 : i32
    %dma_wait3A_281 = tpu.memref_slice %arg6[%dma_wait3A_277, %dma_wait3A_279, %dma_wait3A_280] : memref<3x40x512xi32, #tpu.memory_space<vmem>> -> memref<1x40x512xi32, #tpu.memory_space<vmem>>
    %dma_wait3A_282 = tpu.memref_squeeze %dma_wait3A_281 : memref<1x40x512xi32, #tpu.memory_space<vmem>> -> memref<40x512xi32, #tpu.memory_space<vmem>>
    %dma_wait3A_283 = arith.constant 128 : i32
    %dma_wait3A_284 = tpu.memref_slice %arg2[%dma_wait3A_283, %mul3A_2] : memref<200x16384xi32, #tpu.memory_space<hbm>> -> memref<40x512xi32, #tpu.memory_space<hbm>>
    %dma_wait3A_285 = tpu.memref_slice %arg8[%dma_wait3A_278] : memref<3x!tpu.dma_semaphore, #tpu.memory_space<semaphore_mem>> -> memref<1x!tpu.dma_semaphore, #tpu.memory_space<semaphore_mem>>
    %dma_wait3A_286 = tpu.memref_squeeze %dma_wait3A_285 : memref<1x!tpu.dma_semaphore, #tpu.memory_space<semaphore_mem>> -> memref<!tpu.dma_semaphore, #tpu.memory_space<semaphore_mem>>
    %dma_wait3A_287 = arith.constant 0 : i32
    %dma_wait3A_288 = arith.constant 0 : i32
    %dma_wait3A_289 = tpu.memref_slice %arg6[%dma_wait3A_277, %dma_wait3A_287, %dma_wait3A_288] : memref<3x40x512xi32, #tpu.memory_space<vmem>> -> memref<1x40x512xi32, #tpu.memory_space<vmem>>
    %dma_wait3A_290 = tpu.memref_squeeze %dma_wait3A_289 : memref<1x40x512xi32, #tpu.memory_space<vmem>> -> memref<40x512xi32, #tpu.memory_space<vmem>>
    %dma_wait3A_291 = arith.constant 128 : i32
    %dma_wait3A_292 = tpu.memref_slice %arg2[%dma_wait3A_291, %mul3A_2] : memref<200x16384xi32, #tpu.memory_space<hbm>> -> memref<40x512xi32, #tpu.memory_space<hbm>>
    tpu.wait_dma2 semaphore(%dma_wait3A_286 : memref<!tpu.dma_semaphore, #tpu.memory_space<semaphore_mem>>) src(%dma_wait3A_292 : memref<40x512xi32, #tpu.memory_space<hbm>>) dst(%dma_wait3A_290 : memref<40x512xi32, #tpu.memory_space<vmem>>)
    %dma_wait3A_293 = arith.constant 1 : i32
    %dma_wait3A_294 = arith.constant 1 : i32
    %dma_wait3A_295 = arith.constant 0 : i32
    %dma_wait3A_296 = arith.constant 0 : i32
    %dma_wait3A_297 = tpu.memref_slice %arg7[%dma_wait3A_293, %dma_wait3A_295, %dma_wait3A_296] : memref<3x40x512xf32, #tpu.memory_space<vmem>> -> memref<1x40x512xf32, #tpu.memory_space<vmem>>
    %dma_wait3A_298 = tpu.memref_squeeze %dma_wait3A_297 : memref<1x40x512xf32, #tpu.memory_space<vmem>> -> memref<40x512xf32, #tpu.memory_space<vmem>>
    %dma_wait3A_299 = arith.constant 8 : i32
    %dma_wait3A_300 = tpu.memref_slice %arg4[%dma_wait3A_299, %mul3A_2] : memref<200x16384xf32, #tpu.memory_space<hbm>> -> memref<40x512xf32, #tpu.memory_space<hbm>>
    %dma_wait3A_301 = tpu.memref_slice %arg9[%dma_wait3A_294] : memref<3x!tpu.dma_semaphore, #tpu.memory_space<semaphore_mem>> -> memref<1x!tpu.dma_semaphore, #tpu.memory_space<semaphore_mem>>
    %dma_wait3A_302 = tpu.memref_squeeze %dma_wait3A_301 : memref<1x!tpu.dma_semaphore, #tpu.memory_space<semaphore_mem>> -> memref<!tpu.dma_semaphore, #tpu.memory_space<semaphore_mem>>
    %dma_wait3A_303 = arith.constant 8 : i32
    %dma_wait3A_304 = tpu.memref_slice %arg4[%dma_wait3A_303, %mul3A_2] : memref<200x16384xf32, #tpu.memory_space<hbm>> -> memref<40x512xf32, #tpu.memory_space<hbm>>
    %dma_wait3A_305 = arith.constant 0 : i32
    %dma_wait3A_306 = arith.constant 0 : i32
    %dma_wait3A_307 = tpu.memref_slice %arg7[%dma_wait3A_293, %dma_wait3A_305, %dma_wait3A_306] : memref<3x40x512xf32, #tpu.memory_space<vmem>> -> memref<1x40x512xf32, #tpu.memory_space<vmem>>
    %dma_wait3A_308 = tpu.memref_squeeze %dma_wait3A_307 : memref<1x40x512xf32, #tpu.memory_space<vmem>> -> memref<40x512xf32, #tpu.memory_space<vmem>>
    tpu.wait_dma2 semaphore(%dma_wait3A_302 : memref<!tpu.dma_semaphore, #tpu.memory_space<semaphore_mem>>) src(%dma_wait3A_308 : memref<40x512xf32, #tpu.memory_space<vmem>>) dst(%dma_wait3A_304 : memref<40x512xf32, #tpu.memory_space<hbm>>)
    %parallel_loop3A_309 = arith.constant 0 : i32
    %parallel_loop3A_310 = arith.constant 1280 : i32
    %parallel_loop3A_311 = arith.constant 1 : i32
    %parallel_loop3A_312 = arith.constant 1 : i32
    %parallel_loop3A_313 = arith.constant 1 : i32
    scf.for %parallel_loop3A_484 = %parallel_loop3A_309 to %parallel_loop3A_310 step %parallel_loop3A_311  : i32 {
      %parallel_loop3A_485 = arith.constant 5 : i32
      %parallel_loop3A_486 = arith.shrui %parallel_loop3A_484, %parallel_loop3A_485 : i32
      %parallel_loop3A_487 = arith.constant 31 : i32
      %parallel_loop3A_488 = arith.andi %parallel_loop3A_484, %parallel_loop3A_487 : i32
      %parallel_loop3A_489 = arith.constant 4 : i32
      %parallel_loop3A_490 = arith.shli %parallel_loop3A_488, %parallel_loop3A_489 : i32
      %parallel_loop3A_491 = arith.constant 0 : i32
      %parallel_loop3A_492 = arith.constant 0 : i32
      %parallel_loop3A_493 = tpu.memref_slice %arg6[%parallel_loop3A_312, %parallel_loop3A_491, %parallel_loop3A_492] : memref<3x40x512xi32, #tpu.memory_space<vmem>> -> memref<1x40x512xi32, #tpu.memory_space<vmem>>
      %parallel_loop3A_494 = tpu.memref_squeeze %parallel_loop3A_493 : memref<1x40x512xi32, #tpu.memory_space<vmem>> -> memref<40x512xi32, #tpu.memory_space<vmem>>
      %parallel_loop3A_495 = arith.index_cast %parallel_loop3A_486 : i32 to index
      %parallel_loop3A_496 = arith.index_cast %parallel_loop3A_490 : i32 to index
      %parallel_loop3A_497 = tpu.vector_load %parallel_loop3A_494[%parallel_loop3A_495, %parallel_loop3A_496] {strides = array<i32>} : memref<40x512xi32, #tpu.memory_space<vmem>>, vector<16xi32>,
      %parallel_loop3A_498 = vector.shape_cast %parallel_loop3A_497 : vector<16xi32> to vector<16x1xi32>
      %parallel_loop3A_499 = vector.shape_cast %parallel_loop3A_498 : vector<16x1xi32> to vector<16xi32>
      %parallel_loop3A_500 = tpu.dynamic_gather %get3A_50[%parallel_loop3A_499] in [0] : vector<16xf32>, vector<16xi32> -> vector<16xf32>
      %parallel_loop3A_501 = arith.constant 0 : i32
      %parallel_loop3A_502 = arith.constant 0 : i32
      %parallel_loop3A_503 = tpu.memref_slice %arg7[%parallel_loop3A_313, %parallel_loop3A_501, %parallel_loop3A_502] : memref<3x40x512xf32, #tpu.memory_space<vmem>> -> memref<1x40x512xf32, #tpu.memory_space<vmem>>
      %parallel_loop3A_504 = tpu.memref_squeeze %parallel_loop3A_503 : memref<1x40x512xf32, #tpu.memory_space<vmem>> -> memref<40x512xf32, #tpu.memory_space<vmem>>
      %parallel_loop3A_505 = arith.index_cast %parallel_loop3A_486 : i32 to index
      %parallel_loop3A_506 = arith.index_cast %parallel_loop3A_490 : i32 to index
      %parallel_loop3A_507 = tpu.vector_load %parallel_loop3A_504[%parallel_loop3A_505, %parallel_loop3A_506] {strides = array<i32>} : memref<40x512xf32, #tpu.memory_space<vmem>>, vector<16xf32>,
      tpu.vector_store %parallel_loop3A_504[%parallel_loop3A_505, %parallel_loop3A_506], %parallel_loop3A_500 {strides = array<i32>} : memref<40x512xf32, #tpu.memory_space<vmem>>, vector<16xf32>,
    } {sc.loop_unroll_factor = 16 : i64, sc.parallel_access}
    %dma_start3A_314 = arith.constant 1 : i32
    %dma_start3A_315 = arith.constant 1 : i32
    %dma_start3A_316 = arith.constant 0 : i32
    %dma_start3A_317 = arith.constant 0 : i32
    %dma_start3A_318 = tpu.memref_slice %arg7[%dma_start3A_314, %dma_start3A_316, %dma_start3A_317] : memref<3x40x512xf32, #tpu.memory_space<vmem>> -> memref<1x40x512xf32, #tpu.memory_space<vmem>>
    %dma_start3A_319 = tpu.memref_squeeze %dma_start3A_318 : memref<1x40x512xf32, #tpu.memory_space<vmem>> -> memref<40x512xf32, #tpu.memory_space<vmem>>
    %dma_start3A_320 = arith.constant 128 : i32
    %dma_start3A_321 = tpu.memref_slice %arg4[%dma_start3A_320, %mul3A_2] : memref<200x16384xf32, #tpu.memory_space<hbm>> -> memref<40x512xf32, #tpu.memory_space<hbm>>
    %dma_start3A_322 = tpu.memref_slice %arg9[%dma_start3A_315] : memref<3x!tpu.dma_semaphore, #tpu.memory_space<semaphore_mem>> -> memref<1x!tpu.dma_semaphore, #tpu.memory_space<semaphore_mem>>
    %dma_start3A_323 = tpu.memref_squeeze %dma_start3A_322 : memref<1x!tpu.dma_semaphore, #tpu.memory_space<semaphore_mem>> -> memref<!tpu.dma_semaphore, #tpu.memory_space<semaphore_mem>>
    %dma_start3A_324 = arith.constant 128 : i32
    %dma_start3A_325 = tpu.memref_slice %arg4[%dma_start3A_324, %mul3A_2] : memref<200x16384xf32, #tpu.memory_space<hbm>> -> memref<40x512xf32, #tpu.memory_space<hbm>>
    %dma_start3A_326 = arith.constant 0 : i32
    %dma_start3A_327 = arith.constant 0 : i32
    %dma_start3A_328 = tpu.memref_slice %arg7[%dma_start3A_314, %dma_start3A_326, %dma_start3A_327] : memref<3x40x512xf32, #tpu.memory_space<vmem>> -> memref<1x40x512xf32, #tpu.memory_space<vmem>>
    %dma_start3A_329 = tpu.memref_squeeze %dma_start3A_328 : memref<1x40x512xf32, #tpu.memory_space<vmem>> -> memref<40x512xf32, #tpu.memory_space<vmem>>
    tpu.enqueue_dma source(%dma_start3A_329 : memref<40x512xf32, #tpu.memory_space<vmem>>) target(%dma_start3A_325 : memref<40x512xf32, #tpu.memory_space<hbm>>) target_semaphore(%dma_start3A_323 : memref<!tpu.dma_semaphore, #tpu.memory_space<semaphore_mem>>)
    %dma_wait3A_330 = arith.constant 2 : i32
    %dma_wait3A_331 = arith.constant 2 : i32
    %dma_wait3A_332 = arith.constant 0 : i32
    %dma_wait3A_333 = arith.constant 0 : i32
    %dma_wait3A_334 = tpu.memref_slice %arg6[%dma_wait3A_330, %dma_wait3A_332, %dma_wait3A_333] : memref<3x40x512xi32, #tpu.memory_space<vmem>> -> memref<1x24x512xi32, #tpu.memory_space<vmem>>
    %dma_wait3A_335 = tpu.memref_squeeze %dma_wait3A_334 : memref<1x24x512xi32, #tpu.memory_space<vmem>> -> memref<24x512xi32, #tpu.memory_space<vmem>>
    %dma_wait3A_336 = arith.constant 168 : i32
    %dma_wait3A_337 = tpu.memref_slice %arg2[%dma_wait3A_336, %mul3A_2] : memref<200x16384xi32, #tpu.memory_space<hbm>> -> memref<24x512xi32, #tpu.memory_space<hbm>>
    %dma_wait3A_338 = tpu.memref_slice %arg8[%dma_wait3A_331] : memref<3x!tpu.dma_semaphore, #tpu.memory_space<semaphore_mem>> -> memref<1x!tpu.dma_semaphore, #tpu.memory_space<semaphore_mem>>
    %dma_wait3A_339 = tpu.memref_squeeze %dma_wait3A_338 : memref<1x!tpu.dma_semaphore, #tpu.memory_space<semaphore_mem>> -> memref<!tpu.dma_semaphore, #tpu.memory_space<semaphore_mem>>
    %dma_wait3A_340 = arith.constant 0 : i32
    %dma_wait3A_341 = arith.constant 0 : i32
    %dma_wait3A_342 = tpu.memref_slice %arg6[%dma_wait3A_330, %dma_wait3A_340, %dma_wait3A_341] : memref<3x40x512xi32, #tpu.memory_space<vmem>> -> memref<1x24x512xi32, #tpu.memory_space<vmem>>
    %dma_wait3A_343 = tpu.memref_squeeze %dma_wait3A_342 : memref<1x24x512xi32, #tpu.memory_space<vmem>> -> memref<24x512xi32, #tpu.memory_space<vmem>>
    %dma_wait3A_344 = arith.constant 168 : i32
    %dma_wait3A_345 = tpu.memref_slice %arg2[%dma_wait3A_344, %mul3A_2] : memref<200x16384xi32, #tpu.memory_space<hbm>> -> memref<24x512xi32, #tpu.memory_space<hbm>>
    tpu.wait_dma2 semaphore(%dma_wait3A_339 : memref<!tpu.dma_semaphore, #tpu.memory_space<semaphore_mem>>) src(%dma_wait3A_345 : memref<24x512xi32, #tpu.memory_space<hbm>>) dst(%dma_wait3A_343 : memref<24x512xi32, #tpu.memory_space<vmem>>)
    %dma_wait3A_346 = arith.constant 2 : i32
    %dma_wait3A_347 = arith.constant 2 : i32
    %dma_wait3A_348 = arith.constant 0 : i32
    %dma_wait3A_349 = arith.constant 0 : i32
    %dma_wait3A_350 = tpu.memref_slice %arg7[%dma_wait3A_346, %dma_wait3A_348, %dma_wait3A_349] : memref<3x40x512xf32, #tpu.memory_space<vmem>> -> memref<1x40x512xf32, #tpu.memory_space<vmem>>
    %dma_wait3A_351 = tpu.memref_squeeze %dma_wait3A_350 : memref<1x40x512xf32, #tpu.memory_space<vmem>> -> memref<40x512xf32, #tpu.memory_space<vmem>>
    %dma_wait3A_352 = arith.constant 48 : i32
    %dma_wait3A_353 = tpu.memref_slice %arg4[%dma_wait3A_352, %mul3A_2] : memref<200x16384xf32, #tpu.memory_space<hbm>> -> memref<40x512xf32, #tpu.memory_space<hbm>>
    %dma_wait3A_354 = tpu.memref_slice %arg9[%dma_wait3A_347] : memref<3x!tpu.dma_semaphore, #tpu.memory_space<semaphore_mem>> -> memref<1x!tpu.dma_semaphore, #tpu.memory_space<semaphore_mem>>
    %dma_wait3A_355 = tpu.memref_squeeze %dma_wait3A_354 : memref<1x!tpu.dma_semaphore, #tpu.memory_space<semaphore_mem>> -> memref<!tpu.dma_semaphore, #tpu.memory_space<semaphore_mem>>
    %dma_wait3A_356 = arith.constant 48 : i32
    %dma_wait3A_357 = tpu.memref_slice %arg4[%dma_wait3A_356, %mul3A_2] : memref<200x16384xf32, #tpu.memory_space<hbm>> -> memref<40x512xf32, #tpu.memory_space<hbm>>
    %dma_wait3A_358 = arith.constant 0 : i32
    %dma_wait3A_359 = arith.constant 0 : i32
    %dma_wait3A_360 = tpu.memref_slice %arg7[%dma_wait3A_346, %dma_wait3A_358, %dma_wait3A_359] : memref<3x40x512xf32, #tpu.memory_space<vmem>> -> memref<1x40x512xf32, #tpu.memory_space<vmem>>
    %dma_wait3A_361 = tpu.memref_squeeze %dma_wait3A_360 : memref<1x40x512xf32, #tpu.memory_space<vmem>> -> memref<40x512xf32, #tpu.memory_space<vmem>>
    tpu.wait_dma2 semaphore(%dma_wait3A_355 : memref<!tpu.dma_semaphore, #tpu.memory_space<semaphore_mem>>) src(%dma_wait3A_361 : memref<40x512xf32, #tpu.memory_space<vmem>>) dst(%dma_wait3A_357 : memref<40x512xf32, #tpu.memory_space<hbm>>)
    %parallel_loop3A_362 = arith.constant 0 : i32
    %parallel_loop3A_363 = arith.constant 768 : i32
    %parallel_loop3A_364 = arith.constant 1 : i32
    %parallel_loop3A_365 = arith.constant 2 : i32
    %parallel_loop3A_366 = arith.constant 2 : i32
    scf.for %parallel_loop3A_484 = %parallel_loop3A_362 to %parallel_loop3A_363 step %parallel_loop3A_364  : i32 {
      %parallel_loop3A_485 = arith.constant 5 : i32
      %parallel_loop3A_486 = arith.shrui %parallel_loop3A_484, %parallel_loop3A_485 : i32
      %parallel_loop3A_487 = arith.constant 31 : i32
      %parallel_loop3A_488 = arith.andi %parallel_loop3A_484, %parallel_loop3A_487 : i32
      %parallel_loop3A_489 = arith.constant 4 : i32
      %parallel_loop3A_490 = arith.shli %parallel_loop3A_488, %parallel_loop3A_489 : i32
      %parallel_loop3A_491 = arith.constant 0 : i32
      %parallel_loop3A_492 = arith.constant 0 : i32
      %parallel_loop3A_493 = tpu.memref_slice %arg6[%parallel_loop3A_365, %parallel_loop3A_491, %parallel_loop3A_492] : memref<3x40x512xi32, #tpu.memory_space<vmem>> -> memref<1x40x512xi32, #tpu.memory_space<vmem>>
      %parallel_loop3A_494 = tpu.memref_squeeze %parallel_loop3A_493 : memref<1x40x512xi32, #tpu.memory_space<vmem>> -> memref<40x512xi32, #tpu.memory_space<vmem>>
      %parallel_loop3A_495 = arith.index_cast %parallel_loop3A_486 : i32 to index
      %parallel_loop3A_496 = arith.index_cast %parallel_loop3A_490 : i32 to index
      %parallel_loop3A_497 = tpu.vector_load %parallel_loop3A_494[%parallel_loop3A_495, %parallel_loop3A_496] {strides = array<i32>} : memref<40x512xi32, #tpu.memory_space<vmem>>, vector<16xi32>,
      %parallel_loop3A_498 = vector.shape_cast %parallel_loop3A_497 : vector<16xi32> to vector<16x1xi32>
      %parallel_loop3A_499 = vector.shape_cast %parallel_loop3A_498 : vector<16x1xi32> to vector<16xi32>
      %parallel_loop3A_500 = tpu.dynamic_gather %get3A_50[%parallel_loop3A_499] in [0] : vector<16xf32>, vector<16xi32> -> vector<16xf32>
      %parallel_loop3A_501 = arith.constant 0 : i32
      %parallel_loop3A_502 = arith.constant 0 : i32
      %parallel_loop3A_503 = tpu.memref_slice %arg7[%parallel_loop3A_366, %parallel_loop3A_501, %parallel_loop3A_502] : memref<3x40x512xf32, #tpu.memory_space<vmem>> -> memref<1x40x512xf32, #tpu.memory_space<vmem>>
      %parallel_loop3A_504 = tpu.memref_squeeze %parallel_loop3A_503 : memref<1x40x512xf32, #tpu.memory_space<vmem>> -> memref<40x512xf32, #tpu.memory_space<vmem>>
      %parallel_loop3A_505 = arith.index_cast %parallel_loop3A_486 : i32 to index
      %parallel_loop3A_506 = arith.index_cast %parallel_loop3A_490 : i32 to index
      %parallel_loop3A_507 = tpu.vector_load %parallel_loop3A_504[%parallel_loop3A_505, %parallel_loop3A_506] {strides = array<i32>} : memref<40x512xf32, #tpu.memory_space<vmem>>, vector<16xf32>,
      tpu.vector_store %parallel_loop3A_504[%parallel_loop3A_505, %parallel_loop3A_506], %parallel_loop3A_500 {strides = array<i32>} : memref<40x512xf32, #tpu.memory_space<vmem>>, vector<16xf32>,
    } {sc.loop_unroll_factor = 16 : i64, sc.parallel_access}
    %dma_start3A_367 = arith.constant 2 : i32
    %dma_start3A_368 = arith.constant 2 : i32
    %dma_start3A_369 = arith.constant 0 : i32
    %dma_start3A_370 = arith.constant 0 : i32
    %dma_start3A_371 = tpu.memref_slice %arg7[%dma_start3A_367, %dma_start3A_369, %dma_start3A_370] : memref<3x40x512xf32, #tpu.memory_space<vmem>> -> memref<1x24x512xf32, #tpu.memory_space<vmem>>
    %dma_start3A_372 = tpu.memref_squeeze %dma_start3A_371 : memref<1x24x512xf32, #tpu.memory_space<vmem>> -> memref<24x512xf32, #tpu.memory_space<vmem>>
    %dma_start3A_373 = arith.constant 168 : i32
    %dma_start3A_374 = tpu.memref_slice %arg4[%dma_start3A_373, %mul3A_2] : memref<200x16384xf32, #tpu.memory_space<hbm>> -> memref<24x512xf32, #tpu.memory_space<hbm>>
    %dma_start3A_375 = tpu.memref_slice %arg9[%dma_start3A_368] : memref<3x!tpu.dma_semaphore, #tpu.memory_space<semaphore_mem>> -> memref<1x!tpu.dma_semaphore, #tpu.memory_space<semaphore_mem>>
    %dma_start3A_376 = tpu.memref_squeeze %dma_start3A_375 : memref<1x!tpu.dma_semaphore, #tpu.memory_space<semaphore_mem>> -> memref<!tpu.dma_semaphore, #tpu.memory_space<semaphore_mem>>
    %dma_start3A_377 = arith.constant 168 : i32
    %dma_start3A_378 = tpu.memref_slice %arg4[%dma_start3A_377, %mul3A_2] : memref<200x16384xf32, #tpu.memory_space<hbm>> -> memref<24x512xf32, #tpu.memory_space<hbm>>
    %dma_start3A_379 = arith.constant 0 : i32
    %dma_start3A_380 = arith.constant 0 : i32
    %dma_start3A_381 = tpu.memref_slice %arg7[%dma_start3A_367, %dma_start3A_379, %dma_start3A_380] : memref<3x40x512xf32, #tpu.memory_space<vmem>> -> memref<1x24x512xf32, #tpu.memory_space<vmem>>
    %dma_start3A_382 = tpu.memref_squeeze %dma_start3A_381 : memref<1x24x512xf32, #tpu.memory_space<vmem>> -> memref<24x512xf32, #tpu.memory_space<vmem>>
    tpu.enqueue_dma source(%dma_start3A_382 : memref<24x512xf32, #tpu.memory_space<vmem>>) target(%dma_start3A_378 : memref<24x512xf32, #tpu.memory_space<hbm>>) target_semaphore(%dma_start3A_376 : memref<!tpu.dma_semaphore, #tpu.memory_space<semaphore_mem>>)
    %dma_wait3A_383 = arith.constant 0 : i32
    %dma_wait3A_384 = arith.constant 0 : i32
    %dma_wait3A_385 = arith.constant 0 : i32
    %dma_wait3A_386 = arith.constant 0 : i32
    %dma_wait3A_387 = tpu.memref_slice %arg6[%dma_wait3A_383, %dma_wait3A_385, %dma_wait3A_386] : memref<3x40x512xi32, #tpu.memory_space<vmem>> -> memref<1x8x512xi32, #tpu.memory_space<vmem>>
    %dma_wait3A_388 = tpu.memref_squeeze %dma_wait3A_387 : memref<1x8x512xi32, #tpu.memory_space<vmem>> -> memref<8x512xi32, #tpu.memory_space<vmem>>
    %dma_wait3A_389 = arith.constant 192 : i32
    %dma_wait3A_390 = tpu.memref_slice %arg2[%dma_wait3A_389, %mul3A_2] : memref<200x16384xi32, #tpu.memory_space<hbm>> -> memref<8x512xi32, #tpu.memory_space<hbm>>
    %dma_wait3A_391 = tpu.memref_slice %arg8[%dma_wait3A_384] : memref<3x!tpu.dma_semaphore, #tpu.memory_space<semaphore_mem>> -> memref<1x!tpu.dma_semaphore, #tpu.memory_space<semaphore_mem>>
    %dma_wait3A_392 = tpu.memref_squeeze %dma_wait3A_391 : memref<1x!tpu.dma_semaphore, #tpu.memory_space<semaphore_mem>> -> memref<!tpu.dma_semaphore, #tpu.memory_space<semaphore_mem>>
    %dma_wait3A_393 = arith.constant 0 : i32
    %dma_wait3A_394 = arith.constant 0 : i32
    %dma_wait3A_395 = tpu.memref_slice %arg6[%dma_wait3A_383, %dma_wait3A_393, %dma_wait3A_394] : memref<3x40x512xi32, #tpu.memory_space<vmem>> -> memref<1x8x512xi32, #tpu.memory_space<vmem>>
    %dma_wait3A_396 = tpu.memref_squeeze %dma_wait3A_395 : memref<1x8x512xi32, #tpu.memory_space<vmem>> -> memref<8x512xi32, #tpu.memory_space<vmem>>
    %dma_wait3A_397 = arith.constant 192 : i32
    %dma_wait3A_398 = tpu.memref_slice %arg2[%dma_wait3A_397, %mul3A_2] : memref<200x16384xi32, #tpu.memory_space<hbm>> -> memref<8x512xi32, #tpu.memory_space<hbm>>
    tpu.wait_dma2 semaphore(%dma_wait3A_392 : memref<!tpu.dma_semaphore, #tpu.memory_space<semaphore_mem>>) src(%dma_wait3A_398 : memref<8x512xi32, #tpu.memory_space<hbm>>) dst(%dma_wait3A_396 : memref<8x512xi32, #tpu.memory_space<vmem>>)
    %dma_wait3A_399 = arith.constant 0 : i32
    %dma_wait3A_400 = arith.constant 0 : i32
    %dma_wait3A_401 = arith.constant 0 : i32
    %dma_wait3A_402 = arith.constant 0 : i32
    %dma_wait3A_403 = tpu.memref_slice %arg7[%dma_wait3A_399, %dma_wait3A_401, %dma_wait3A_402] : memref<3x40x512xf32, #tpu.memory_space<vmem>> -> memref<1x40x512xf32, #tpu.memory_space<vmem>>
    %dma_wait3A_404 = tpu.memref_squeeze %dma_wait3A_403 : memref<1x40x512xf32, #tpu.memory_space<vmem>> -> memref<40x512xf32, #tpu.memory_space<vmem>>
    %dma_wait3A_405 = arith.constant 88 : i32
    %dma_wait3A_406 = tpu.memref_slice %arg4[%dma_wait3A_405, %mul3A_2] : memref<200x16384xf32, #tpu.memory_space<hbm>> -> memref<40x512xf32, #tpu.memory_space<hbm>>
    %dma_wait3A_407 = tpu.memref_slice %arg9[%dma_wait3A_400] : memref<3x!tpu.dma_semaphore, #tpu.memory_space<semaphore_mem>> -> memref<1x!tpu.dma_semaphore, #tpu.memory_space<semaphore_mem>>
    %dma_wait3A_408 = tpu.memref_squeeze %dma_wait3A_407 : memref<1x!tpu.dma_semaphore, #tpu.memory_space<semaphore_mem>> -> memref<!tpu.dma_semaphore, #tpu.memory_space<semaphore_mem>>
    %dma_wait3A_409 = arith.constant 88 : i32
    %dma_wait3A_410 = tpu.memref_slice %arg4[%dma_wait3A_409, %mul3A_2] : memref<200x16384xf32, #tpu.memory_space<hbm>> -> memref<40x512xf32, #tpu.memory_space<hbm>>
    %dma_wait3A_411 = arith.constant 0 : i32
    %dma_wait3A_412 = arith.constant 0 : i32
    %dma_wait3A_413 = tpu.memref_slice %arg7[%dma_wait3A_399, %dma_wait3A_411, %dma_wait3A_412] : memref<3x40x512xf32, #tpu.memory_space<vmem>> -> memref<1x40x512xf32, #tpu.memory_space<vmem>>
    %dma_wait3A_414 = tpu.memref_squeeze %dma_wait3A_413 : memref<1x40x512xf32, #tpu.memory_space<vmem>> -> memref<40x512xf32, #tpu.memory_space<vmem>>
    tpu.wait_dma2 semaphore(%dma_wait3A_408 : memref<!tpu.dma_semaphore, #tpu.memory_space<semaphore_mem>>) src(%dma_wait3A_414 : memref<40x512xf32, #tpu.memory_space<vmem>>) dst(%dma_wait3A_410 : memref<40x512xf32, #tpu.memory_space<hbm>>)
    %parallel_loop3A_415 = arith.constant 0 : i32
    %parallel_loop3A_416 = arith.constant 256 : i32
    %parallel_loop3A_417 = arith.constant 1 : i32
    %parallel_loop3A_418 = arith.constant 0 : i32
    %parallel_loop3A_419 = arith.constant 0 : i32
    scf.for %parallel_loop3A_484 = %parallel_loop3A_415 to %parallel_loop3A_416 step %parallel_loop3A_417  : i32 {
      %parallel_loop3A_485 = arith.constant 5 : i32
      %parallel_loop3A_486 = arith.shrui %parallel_loop3A_484, %parallel_loop3A_485 : i32
      %parallel_loop3A_487 = arith.constant 31 : i32
      %parallel_loop3A_488 = arith.andi %parallel_loop3A_484, %parallel_loop3A_487 : i32
      %parallel_loop3A_489 = arith.constant 4 : i32
      %parallel_loop3A_490 = arith.shli %parallel_loop3A_488, %parallel_loop3A_489 : i32
      %parallel_loop3A_491 = arith.constant 0 : i32
      %parallel_loop3A_492 = arith.constant 0 : i32
      %parallel_loop3A_493 = tpu.memref_slice %arg6[%parallel_loop3A_418, %parallel_loop3A_491, %parallel_loop3A_492] : memref<3x40x512xi32, #tpu.memory_space<vmem>> -> memref<1x40x512xi32, #tpu.memory_space<vmem>>
      %parallel_loop3A_494 = tpu.memref_squeeze %parallel_loop3A_493 : memref<1x40x512xi32, #tpu.memory_space<vmem>> -> memref<40x512xi32, #tpu.memory_space<vmem>>
      %parallel_loop3A_495 = arith.index_cast %parallel_loop3A_486 : i32 to index
      %parallel_loop3A_496 = arith.index_cast %parallel_loop3A_490 : i32 to index
      %parallel_loop3A_497 = tpu.vector_load %parallel_loop3A_494[%parallel_loop3A_495, %parallel_loop3A_496] {strides = array<i32>} : memref<40x512xi32, #tpu.memory_space<vmem>>, vector<16xi32>,
      %parallel_loop3A_498 = vector.shape_cast %parallel_loop3A_497 : vector<16xi32> to vector<16x1xi32>
      %parallel_loop3A_499 = vector.shape_cast %parallel_loop3A_498 : vector<16x1xi32> to vector<16xi32>
      %parallel_loop3A_500 = tpu.dynamic_gather %get3A_50[%parallel_loop3A_499] in [0] : vector<16xf32>, vector<16xi32> -> vector<16xf32>
      %parallel_loop3A_501 = arith.constant 0 : i32
      %parallel_loop3A_502 = arith.constant 0 : i32
      %parallel_loop3A_503 = tpu.memref_slice %arg7[%parallel_loop3A_419, %parallel_loop3A_501, %parallel_loop3A_502] : memref<3x40x512xf32, #tpu.memory_space<vmem>> -> memref<1x40x512xf32, #tpu.memory_space<vmem>>
      %parallel_loop3A_504 = tpu.memref_squeeze %parallel_loop3A_503 : memref<1x40x512xf32, #tpu.memory_space<vmem>> -> memref<40x512xf32, #tpu.memory_space<vmem>>
      %parallel_loop3A_505 = arith.index_cast %parallel_loop3A_486 : i32 to index
      %parallel_loop3A_506 = arith.index_cast %parallel_loop3A_490 : i32 to index
      %parallel_loop3A_507 = tpu.vector_load %parallel_loop3A_504[%parallel_loop3A_505, %parallel_loop3A_506] {strides = array<i32>} : memref<40x512xf32, #tpu.memory_space<vmem>>, vector<16xf32>,
      tpu.vector_store %parallel_loop3A_504[%parallel_loop3A_505, %parallel_loop3A_506], %parallel_loop3A_500 {strides = array<i32>} : memref<40x512xf32, #tpu.memory_space<vmem>>, vector<16xf32>,
    } {sc.loop_unroll_factor = 16 : i64, sc.parallel_access}
    %dma_start3A_420 = arith.constant 0 : i32
    %dma_start3A_421 = arith.constant 0 : i32
    %dma_start3A_422 = arith.constant 0 : i32
    %dma_start3A_423 = arith.constant 0 : i32
    %dma_start3A_424 = tpu.memref_slice %arg7[%dma_start3A_420, %dma_start3A_422, %dma_start3A_423] : memref<3x40x512xf32, #tpu.memory_space<vmem>> -> memref<1x8x512xf32, #tpu.memory_space<vmem>>
    %dma_start3A_425 = tpu.memref_squeeze %dma_start3A_424 : memref<1x8x512xf32, #tpu.memory_space<vmem>> -> memref<8x512xf32, #tpu.memory_space<vmem>>
    %dma_start3A_426 = arith.constant 192 : i32
    %dma_start3A_427 = tpu.memref_slice %arg4[%dma_start3A_426, %mul3A_2] : memref<200x16384xf32, #tpu.memory_space<hbm>> -> memref<8x512xf32, #tpu.memory_space<hbm>>
    %dma_start3A_428 = tpu.memref_slice %arg9[%dma_start3A_421] : memref<3x!tpu.dma_semaphore, #tpu.memory_space<semaphore_mem>> -> memref<1x!tpu.dma_semaphore, #tpu.memory_space<semaphore_mem>>
    %dma_start3A_429 = tpu.memref_squeeze %dma_start3A_428 : memref<1x!tpu.dma_semaphore, #tpu.memory_space<semaphore_mem>> -> memref<!tpu.dma_semaphore, #tpu.memory_space<semaphore_mem>>
    %dma_start3A_430 = arith.constant 192 : i32
    %dma_start3A_431 = tpu.memref_slice %arg4[%dma_start3A_430, %mul3A_2] : memref<200x16384xf32, #tpu.memory_space<hbm>> -> memref<8x512xf32, #tpu.memory_space<hbm>>
    %dma_start3A_432 = arith.constant 0 : i32
    %dma_start3A_433 = arith.constant 0 : i32
    %dma_start3A_434 = tpu.memref_slice %arg7[%dma_start3A_420, %dma_start3A_432, %dma_start3A_433] : memref<3x40x512xf32, #tpu.memory_space<vmem>> -> memref<1x8x512xf32, #tpu.memory_space<vmem>>
    %dma_start3A_435 = tpu.memref_squeeze %dma_start3A_434 : memref<1x8x512xf32, #tpu.memory_space<vmem>> -> memref<8x512xf32, #tpu.memory_space<vmem>>
    tpu.enqueue_dma source(%dma_start3A_435 : memref<8x512xf32, #tpu.memory_space<vmem>>) target(%dma_start3A_431 : memref<8x512xf32, #tpu.memory_space<hbm>>) target_semaphore(%dma_start3A_429 : memref<!tpu.dma_semaphore, #tpu.memory_space<semaphore_mem>>)
    %dma_wait3A_436 = arith.constant 1 : i32
    %dma_wait3A_437 = arith.constant 1 : i32
    %dma_wait3A_438 = arith.constant 0 : i32
    %dma_wait3A_439 = arith.constant 0 : i32
    %dma_wait3A_440 = tpu.memref_slice %arg7[%dma_wait3A_436, %dma_wait3A_438, %dma_wait3A_439] : memref<3x40x512xf32, #tpu.memory_space<vmem>> -> memref<1x40x512xf32, #tpu.memory_space<vmem>>
    %dma_wait3A_441 = tpu.memref_squeeze %dma_wait3A_440 : memref<1x40x512xf32, #tpu.memory_space<vmem>> -> memref<40x512xf32, #tpu.memory_space<vmem>>
    %dma_wait3A_442 = arith.constant 128 : i32
    %dma_wait3A_443 = tpu.memref_slice %arg4[%dma_wait3A_442, %mul3A_2] : memref<200x16384xf32, #tpu.memory_space<hbm>> -> memref<40x512xf32, #tpu.memory_space<hbm>>
    %dma_wait3A_444 = tpu.memref_slice %arg9[%dma_wait3A_437] : memref<3x!tpu.dma_semaphore, #tpu.memory_space<semaphore_mem>> -> memref<1x!tpu.dma_semaphore, #tpu.memory_space<semaphore_mem>>
    %dma_wait3A_445 = tpu.memref_squeeze %dma_wait3A_444 : memref<1x!tpu.dma_semaphore, #tpu.memory_space<semaphore_mem>> -> memref<!tpu.dma_semaphore, #tpu.memory_space<semaphore_mem>>
    %dma_wait3A_446 = arith.constant 128 : i32
    %dma_wait3A_447 = tpu.memref_slice %arg4[%dma_wait3A_446, %mul3A_2] : memref<200x16384xf32, #tpu.memory_space<hbm>> -> memref<40x512xf32, #tpu.memory_space<hbm>>
    %dma_wait3A_448 = arith.constant 0 : i32
    %dma_wait3A_449 = arith.constant 0 : i32
    %dma_wait3A_450 = tpu.memref_slice %arg7[%dma_wait3A_436, %dma_wait3A_448, %dma_wait3A_449] : memref<3x40x512xf32, #tpu.memory_space<vmem>> -> memref<1x40x512xf32, #tpu.memory_space<vmem>>
    %dma_wait3A_451 = tpu.memref_squeeze %dma_wait3A_450 : memref<1x40x512xf32, #tpu.memory_space<vmem>> -> memref<40x512xf32, #tpu.memory_space<vmem>>
    tpu.wait_dma2 semaphore(%dma_wait3A_445 : memref<!tpu.dma_semaphore, #tpu.memory_space<semaphore_mem>>) src(%dma_wait3A_451 : memref<40x512xf32, #tpu.memory_space<vmem>>) dst(%dma_wait3A_447 : memref<40x512xf32, #tpu.memory_space<hbm>>)
    %dma_wait3A_452 = arith.constant 2 : i32
    %dma_wait3A_453 = arith.constant 2 : i32
    %dma_wait3A_454 = arith.constant 0 : i32
    %dma_wait3A_455 = arith.constant 0 : i32
    %dma_wait3A_456 = tpu.memref_slice %arg7[%dma_wait3A_452, %dma_wait3A_454, %dma_wait3A_455] : memref<3x40x512xf32, #tpu.memory_space<vmem>> -> memref<1x24x512xf32, #tpu.memory_space<vmem>>
    %dma_wait3A_457 = tpu.memref_squeeze %dma_wait3A_456 : memref<1x24x512xf32, #tpu.memory_space<vmem>> -> memref<24x512xf32, #tpu.memory_space<vmem>>
    %dma_wait3A_458 = arith.constant 168 : i32
    %dma_wait3A_459 = tpu.memref_slice %arg4[%dma_wait3A_458, %mul3A_2] : memref<200x16384xf32, #tpu.memory_space<hbm>> -> memref<24x512xf32, #tpu.memory_space<hbm>>
    %dma_wait3A_460 = tpu.memref_slice %arg9[%dma_wait3A_453] : memref<3x!tpu.dma_semaphore, #tpu.memory_space<semaphore_mem>> -> memref<1x!tpu.dma_semaphore, #tpu.memory_space<semaphore_mem>>
    %dma_wait3A_461 = tpu.memref_squeeze %dma_wait3A_460 : memref<1x!tpu.dma_semaphore, #tpu.memory_space<semaphore_mem>> -> memref<!tpu.dma_semaphore, #tpu.memory_space<semaphore_mem>>
    %dma_wait3A_462 = arith.constant 168 : i32
    %dma_wait3A_463 = tpu.memref_slice %arg4[%dma_wait3A_462, %mul3A_2] : memref<200x16384xf32, #tpu.memory_space<hbm>> -> memref<24x512xf32, #tpu.memory_space<hbm>>
    %dma_wait3A_464 = arith.constant 0 : i32
    %dma_wait3A_465 = arith.constant 0 : i32
    %dma_wait3A_466 = tpu.memref_slice %arg7[%dma_wait3A_452, %dma_wait3A_464, %dma_wait3A_465] : memref<3x40x512xf32, #tpu.memory_space<vmem>> -> memref<1x24x512xf32, #tpu.memory_space<vmem>>
    %dma_wait3A_467 = tpu.memref_squeeze %dma_wait3A_466 : memref<1x24x512xf32, #tpu.memory_space<vmem>> -> memref<24x512xf32, #tpu.memory_space<vmem>>
    tpu.wait_dma2 semaphore(%dma_wait3A_461 : memref<!tpu.dma_semaphore, #tpu.memory_space<semaphore_mem>>) src(%dma_wait3A_467 : memref<24x512xf32, #tpu.memory_space<vmem>>) dst(%dma_wait3A_463 : memref<24x512xf32, #tpu.memory_space<hbm>>)
    %dma_wait3A_468 = arith.constant 0 : i32
    %dma_wait3A_469 = arith.constant 0 : i32
    %dma_wait3A_470 = arith.constant 0 : i32
    %dma_wait3A_471 = arith.constant 0 : i32
    %dma_wait3A_472 = tpu.memref_slice %arg7[%dma_wait3A_468, %dma_wait3A_470, %dma_wait3A_471] : memref<3x40x512xf32, #tpu.memory_space<vmem>> -> memref<1x8x512xf32, #tpu.memory_space<vmem>>
    %dma_wait3A_473 = tpu.memref_squeeze %dma_wait3A_472 : memref<1x8x512xf32, #tpu.memory_space<vmem>> -> memref<8x512xf32, #tpu.memory_space<vmem>>
    %dma_wait3A_474 = arith.constant 192 : i32
    %dma_wait3A_475 = tpu.memref_slice %arg4[%dma_wait3A_474, %mul3A_2] : memref<200x16384xf32, #tpu.memory_space<hbm>> -> memref<8x512xf32, #tpu.memory_space<hbm>>
    %dma_wait3A_476 = tpu.memref_slice %arg9[%dma_wait3A_469] : memref<3x!tpu.dma_semaphore, #tpu.memory_space<semaphore_mem>> -> memref<1x!tpu.dma_semaphore, #tpu.memory_space<semaphore_mem>>
    %dma_wait3A_477 = tpu.memref_squeeze %dma_wait3A_476 : memref<1x!tpu.dma_semaphore, #tpu.memory_space<semaphore_mem>> -> memref<!tpu.dma_semaphore, #tpu.memory_space<semaphore_mem>>
    %dma_wait3A_478 = arith.constant 192 : i32
    %dma_wait3A_479 = tpu.memref_slice %arg4[%dma_wait3A_478, %mul3A_2] : memref<200x16384xf32, #tpu.memory_space<hbm>> -> memref<8x512xf32, #tpu.memory_space<hbm>>
    %dma_wait3A_480 = arith.constant 0 : i32
    %dma_wait3A_481 = arith.constant 0 : i32
    %dma_wait3A_482 = tpu.memref_slice %arg7[%dma_wait3A_468, %dma_wait3A_480, %dma_wait3A_481] : memref<3x40x512xf32, #tpu.memory_space<vmem>> -> memref<1x8x512xf32, #tpu.memory_space<vmem>>
    %dma_wait3A_483 = tpu.memref_squeeze %dma_wait3A_482 : memref<1x8x512xf32, #tpu.memory_space<vmem>> -> memref<8x512xf32, #tpu.memory_space<vmem>>
    tpu.wait_dma2 semaphore(%dma_wait3A_477 : memref<!tpu.dma_semaphore, #tpu.memory_space<semaphore_mem>>) src(%dma_wait3A_483 : memref<8x512xf32, #tpu.memory_space<vmem>>) dst(%dma_wait3A_479 : memref<8x512xf32, #tpu.memory_space<hbm>>)
    return
  }
}

</mosaic_0001>

<sc_bundles>
// kernel: kernel.3.cloned.1.call-start
scs
__scs_entry_jumppad:
0x0: {  	(pc) =	sbr.rel $0x88, $3  }
0x1: {  	(tag) =	ssettag $0x0;
	lr =	simm.s32 $0x1  }
0x2: {  	[smem:$0x3F9F] =	sst lr;
	_ =	strace $0xD0000000  }
0x3: {  	_ = 	snop  }
0x4: {  	_ = 	snop  }
0x5: {  	_ = 	snop  }
0x6: {  	_ = 	snop  }
0x7: {  	_ = 	snop  }
__scs_overlays_trampoline_lowered:
0x8: {  	[smem:$0x3FAE] =	sst s0  }
0x9: {  	[smem:$0x3FAF] =	sst s1  }
0xa: {  	[smem:$0x3FB0] =	sst s2  }
0xb: {  	[smem:$0x3FB1] =	sst s3  }
0xc: {  	[smem:$0x3FB2] =	sst s4  }
0xd: {  	[smem:$0x3FB3] =	sst s5  }
0xe: {  	[smem:$0x3FB4] =	sst s6  }
0xf: {  	[smem:$0x3FB5] =	sst s7  }
0x10: {  	[smem:$0x3FB6] =	sst s8  }
0x11: {  	[smem:$0x3FB7] =	sst s9;
	s0 =	simm.s32 @!p0 $0x0  }
0x12: {  	s1 =	sld [smem:$0x3F9D];
	s0 =	simm.s32 @p0 $0x1  }
0x13: {  	[smem:$0x3FB8] =	sst s0;
	s0 =	simm.s32 @!p1 $0x0  }
0x14: {  	s2 =	sld [smem:$0x3F9C];
	s0 =	simm.s32 @p1 $0x1  }
0x15: {  	[smem:$0x3FB9] =	sst s0;
	s0 =	simm.s32 @!p2 $0x0  }
0x16: {  	s3 =	sld [smem:$0x3FDB];
	s0 =	simm.s32 @p2 $0x1  }
0x17: {  	s4 =	simm.s32 $0x1BF5;
	[smem:$0x3FBB] =	sst s0  }
0x18: {  	s0 =	sld [smem:$0x3F9E];
	_ =	swait.ge [sflag:s4], $0x0  }
0x19: {  	s7 =	sld [smem:$0x3F9F]  }
0x1a: {  	s8 =	sadd.s32 $0xFFFFE003, lr  }
0x1b: {  	s9 =	sadd.s32 $0xFFFFFEF7, lr;
	s5 =	simm.s32 $0xFFFFFFFF;
	p2 =	slt.u32 s8, $0xFFFFF086  }
0x1c: {  	p1 =	slt.u32 s9, $0xF7A;
	s5 =	simm.s32 @!p2 $0x0  }
0x1d: {  	s5 =	simm.s32 @p1 $0x1;
	p0 =	seq.s32 s7, s2  }
0x1e: {  	s7 =	smul.u32 @!p0 $0xF7A, s2;
	p2 =	seq.s32 @!p0 s5, $0x0  }
0x1f: {  	s9 =	smul.u32 $0xF7A, s1;
	s8 =	simm.s32 @!p0 $0x1BF5;
	p2 =	por !p2, p0  }
0x20: {  	[sflag:s8] =	ssyncset.s32 @!p0 $0xFFFFF086;
	s6 =	sadd.s32 @!p0 s3, s7;
	s7 =	simm.s32 @!p0 $0x108  }
0x21: {  	s3 =	sadd.s32 s3, s9;
	s6 =	sadd.s32 @!p0 $0x88, s6;
	s7 =	simm.s32 @p2 $0x1082  }
0x22: {  	[simem:s7], [sflag:s8] =	dma.local @!p0 [hbm:s6], $0xF7A  }
0x23: {  	s9 =	sor.u32 $0xD0000000, s2;
	s6 =	simm.s32 $0x108;
	_ =	swait.ge @!p0 [sflag:s8], $0x0  }
0x24: {  	s3 =	sadd.s32 $0x88, s3;
	s6 =	simm.s32 @!p1 $0x1082;
	[sflag:s4] =	ssyncset.s32 $0xFFFFF086  }
0x25: {  	[simem:s6], [sflag:s4] =	dma.local [hbm:s3], $0xF7A  }
0x26: {  	[smem:$0x3F9F] =	sst s1;
	(tag) =	ssettag s2;
	_ =	strace s9  }
0x27: {  	s1 =	sld [smem:$0x3FAF]  }
0x28: {  	s2 =	sld [smem:$0x3FB0]  }
0x29: {  	s4 =	sld [smem:$0x3FB2]  }
0x2a: {  	p0 =	seq.s32 s5, $0x0;
	s5 =	sld [smem:$0x3FB3]  }
0x2b: {  	s6 =	sld [smem:$0x3FB4]  }
0x2c: {  	s7 =	sld [smem:$0x3FB5]  }
0x2d: {  	s3 =	simm.s32 $0x108;
	s8 =	sld [smem:$0x3FB6]  }
0x2e: {  	s3 =	simm.s32 @!p0 $0x1082;
	s9 =	sld [smem:$0x3FB7]  }
0x2f: {  	lr =	sadd.s32 s0, s3;
	s0 =	sld [smem:$0x3FAE]  }
0x30: {  	s3 =	sld [smem:$0x3FB1]  }
0x31: {  	[smem:$0x3FBA] =	sst s10  }
0x32: {  	s10 =	sld [smem:$0x3FB8];
	_ =	sdelay $0x3  }
0x33: {  	p0 =	seq.s32 s10, $0x1;
	s10 =	sld [smem:$0x3FBA];
	_ =	sdelay $0x3  }
0x34: {  	[smem:$0x3FBA] =	sst s10  }
0x35: {  	s10 =	sld [smem:$0x3FB9];
	_ =	sdelay $0x3  }
0x36: {  	p1 =	seq.s32 s10, $0x1;
	s10 =	sld [smem:$0x3FBA];
	_ =	sdelay $0x3  }
0x37: {  	[smem:$0x3FBA] =	sst s10  }
0x38: {  	s10 =	sld [smem:$0x3FBB]  }
0x39: {  	_ = 	snop;
	(pc) =	sbr.ind lr, $3  }
0x3a: {  	_ = 	snop  }
0x3b: {  	_ = 	snop  }
0x3c: {  	p2 =	seq.s32 s10, $0x1;
	s10 =	sld [smem:$0x3FBA]  }
0x3d: {  	_ =	shalt  }
0x3e: {  	_ =	shalt  }
0x3f: {  	_ =	shalt  }
0x40: {  	_ =	shalt  }
0x41: {  	_ =	shalt  }
0x42: {  	_ =	shalt  }
0x43: {  	_ =	shalt  }
0x44: {  	_ =	shalt  }
0x45: {  	_ =	shalt  }
0x46: {  	_ =	shalt  }
0x47: {  	_ =	shalt  }
0x48: {  	_ =	shalt  }
0x49: {  	_ =	shalt  }
0x4a: {  	_ =	shalt  }
0x4b: {  	_ =	shalt  }
0x4c: {  	_ =	shalt  }
0x4d: {  	_ =	shalt  }
0x4e: {  	_ =	shalt  }
0x4f: {  	_ =	shalt  }
0x50: {  	_ =	shalt  }
0x51: {  	_ =	shalt  }
0x52: {  	_ =	shalt  }
0x53: {  	_ =	shalt  }
0x54: {  	_ =	shalt  }
0x55: {  	_ =	shalt  }
0x56: {  	_ =	shalt  }
0x57: {  	_ =	shalt  }
0x58: {  	_ =	shalt  }
0x59: {  	_ =	shalt  }
0x5a: {  	_ =	shalt  }
0x5b: {  	_ =	shalt  }
0x5c: {  	_ =	shalt  }
0x5d: {  	_ =	shalt  }
0x5e: {  	_ =	shalt  }
0x5f: {  	_ =	shalt  }
0x60: {  	_ =	shalt  }
0x61: {  	_ =	shalt  }
0x62: {  	_ =	shalt  }
0x63: {  	_ =	shalt  }
0x64: {  	_ =	shalt  }
0x65: {  	_ =	shalt  }
0x66: {  	_ =	shalt  }
0x67: {  	_ =	shalt  }
0x68: {  	_ =	shalt  }
0x69: {  	_ =	shalt  }
0x6a: {  	_ =	shalt  }
0x6b: {  	_ =	shalt  }
0x6c: {  	_ =	shalt  }
0x6d: {  	_ =	shalt  }
0x6e: {  	_ =	shalt  }
0x6f: {  	_ =	shalt  }
0x70: {  	_ =	shalt  }
0x71: {  	_ =	shalt  }
0x72: {  	_ =	shalt  }
0x73: {  	_ =	shalt  }
0x74: {  	_ =	shalt  }
0x75: {  	_ =	shalt  }
0x76: {  	_ =	shalt  }
0x77: {  	_ =	shalt  }
0x78: {  	_ =	shalt  }
0x79: {  	_ =	shalt  }
0x7a: {  	_ =	shalt  }
0x7b: {  	_ =	shalt  }
0x7c: {  	_ =	shalt  }
0x7d: {  	_ =	shalt  }
0x7e: {  	_ =	shalt  }
0x7f: {  	_ =	shalt  }
0x80: {  	_ =	shalt  }
0x81: {  	_ =	shalt  }
0x82: {  	_ =	shalt  }
0x83: {  	_ =	shalt  }
0x84: {  	_ =	shalt  }
0x85: {  	_ =	shalt  }
0x86: {  	_ =	shalt  }
0x87: {  	_ =	shalt  }
.Lfunc_end0:
.L_simem_size_0:
called_computation_lowered:
.L_overlay_start_0:
0x88: {  	s2 =	sld [smem:$0x3FD9]  }
0x89: {  	s3 =	sld [smem:$0x3FFE];
	_ =	sdelay $0x1  }
0x8a: {  	s1 =	srdreg.scid  }
0x8b: {  	s0 =	sand.u32 $0x1, s1  }
0x8c: {  	s18 =	sshll.u32 s0, $0xA;
	s2 =	sadd.s32 s3, s2  }
0x8d: {  	s2 =	sadd.s32 s2, s18  }
0x8e: {  	[smem:$0x3FC6] =	sst s2  }
0x8f: {  	_ = 	snop  }
0x90: {  	s2 =	sld [smem:$0x3FC9]  }
0x91: {  	s19 =	sld [smem:$0x3FC8]  }
0x92: {  	s4 =	sld [smem:$0x3FD0];
	(tm) =	ssettm $0x1  }
0x93: {  	s5 =	sld [smem:$0x3FFB];
	_ =	sdelay $0x3  }
0x94: {  	_ =	strace s5  }
0x95: {  	s5 =	sld [smem:$0x3FFC];
	_ =	sdelay $0x3  }
0x96: {  	_ =	strace s5  }
0x97: {  	s5 =	sld [smem:$0x3FFD];
	_ =	sdelay $0x3  }
0x98: {  	_ =	strace s5  }
0x99: {  	_ =	strace $0x8FFFFFFF  }
0x9a: {  	s20 =	sld [smem:$0x3FDB];
	_ =	sdelay $0x1  }
0x9b: {  	s6 =	simm.s32 $_scs_section_size  }
0x9c: {  	s7 =	simm.s32 $_size__tile_overlayer_lowered;
	s8 =	simm.s32 $_tile_overlayer_lowered  }
0x9d: {  	s23 =	simm.s32 $0x1BFF;
	s22 =	sshll.u32 s8, $0x1;
	s5 =	sadd.s32 s6, s20  }
0x9e: {  	s9 =	simm.s32 $0x0;
	s21 =	sshll.u32 s7, $0x1;
	s7 =	sadd.s32 s22, s5  }
0x9f: {  	[timem:s9], [sflag:s23] =	dma.local [hbm:s7], s21  }
0xa0: {  	_ =	swait.ge [sflag:s23], s21  }
0xa1: {  	s6 =	ssub.s32 $0x0, s21;
	[sflag:s23] =	ssyncset.done $0x0  }
0xa2: {  	[sflag:s23] =	ssyncadd.s32 s6;
	_ =	sdelay $0x1  }
0xa3: {  	s24 =	simm.s32 $0x1B8B  }
0xa4: {  	_ =	swait.ge [sflag:s24], $0x1  }
0xa5: {  	[sflag:s24] =	ssyncset.done $0x0  }
0xa6: {  	s25 =	simm.s32 $0x1B8E;
	[sflag:s24] =	ssyncadd.s32 $0xFFFFFFFF  }
0xa7: {  	s26 =	simm.s32 $execute0_lowered;
	[smem:$0x3FD2] =	sst s25  }
0xa8: {  	s6 =	sshll.u32 s26, $0x1;
	_ =	strace $0x80000046;
	[dreg:$0x1] =	wrdreg $0xFFFFFFFF  }
0xa9: {  	s28 =	simm.s32 $_size_execute0_lowered;
	s5 =	sadd.s32 s5, s6;
	[dreg:$0x0] =	wrdreg $0x0  }
0xaa: {  	s6 =	sshll.u32 s28, $0x1;
	[dreg:$0x2] =	wrdreg s5  }
0xab: {  	[dreg:$0x3] =	wrdreg s6  }
0xac: {  	[dreg:$0x4] =	wrdreg $0xC0  }
0xad: {  	_ =	task [dreg:s9], $0x5FFFF  }
0xae: {  	[dreg:$0x1] =	wrdreg $0xFFFFFFFF  }
0xaf: {  	[dreg:$0x0] =	wrdreg $0x60  }
0xb0: {  	[dreg:$0x2] =	wrdreg s2  }
0xb1: {  	[dreg:$0x3] =	wrdreg s19  }
0xb2: {  	[dreg:$0x4] =	wrdreg s4  }
0xb3: {  	[dreg:$0x5] =	wrdreg $0x9  }
0xb4: {  	_ =	task.clear_ibuf [dreg:s9], $0x6FFFF;
	_ =	strace $0x90000046  }
0xb5: {  	s29 =	simm.s32 $0x9;
	_ =	strace $0x80000048  }
0xb6: {  	_ =	swait.ge [sflag:s29], $0x1  }
0xb7: {  	[sflag:s29] =	ssyncadd.s32 $0xFFFFFFFF  }
0xb8: {  	_ =	strace $0x90000048  }
0xb9: {  	_ =	sfence  }
0xba: {  	s30 =	sld [smem:$0x0];
	_ =	sdelay $0x2  }
0xbb: {  	s31 =	sshll.u32 s1, $0xD;
	s1 =	sshrl.u32 s1, $0x2  }
0xbc: {  	s3 =	sand.u32 $0x4000, s31;
	s1 =	sadd.s32 s1, s30  }
0xbd: {  	s0 =	sor.u32 s3, s0;
	s1 =	sshll.u32 s1, $0x11  }
0xbe: {  	s0 =	sor.u32 s1, s0  }
0xbf: {  	s0 =	sadd.s32 $0x8F2B, s0  }
0xc0: {  	[sflag:s0] =	ssyncadd.remote.s32 $0x1  }
0xc1: {  	_ =	sfence.sel $0xFFFF  }
0xc2: {  	[dreg:$0x0] =	wrdreg $0xFFFFFFFF;
	(pc) =	sbr.abs _section_cstart, $3  }
0xc3: {  	[dreg:$0x1] =	wrdreg $0xFFFFFFFF  }
0xc4: {  	_ =	task.clear_ibuf [dreg:s9], $0x2FFFF;
	_ =	strace $0x9FFFFFFF  }
0xc5: {  	(tm) =	ssettm $0x7FFFFFFF  }
tec
execute0_lowered:
.L_overlay_start_1:
0x0: {  	(tag) =	ssettag $0x1  }
0x1: {  	s0 =	rddreg [dreg:$0x0]  }
0x2: {  	s1 =	rddreg [dreg:$0x2];
	s2 =	srdreg.scid;
	s3 =	simm.s32 $0x0  }
0x3: {  	s5 =	stileid.u32;
	s19 =	simm.s32 $0x80;
	s28 =	simm.s32 $0x2  }
0x4: {  	s30 =	simm.s32 $0x3;
	s2 =	sand.u32 $0x1, s2;
	s5 =	sshll.u32 s5, $0xA  }
0x5: {  	[smem:$0x7FF] =	sst s3;
	s4 =	ssub.s32 $0x2, s2;
	s2 =	sshll.u32 s2, $0x9  }
0x6: {  	_ =	strace $0x80000047;
	s6 =	sshrl.u32 s4, $0x1;
	s2 =	sor.u32 s2, s5  }
0x7: {  	s4 =	ssub.s32 s4, s6;
	s5 =	sor.u32 $0x4000, s2;
	s20 =	sadd.s32 s0, s2  }
0x8: {  	s22 =	sor.u32 $0x18000, s2;
	s23 =	sadd.s32 s1, s2;
	s24 =	sor.u32 $0x2C000, s2  }
0x9: {  	s25 =	sor.u32 $0x40000, s2;
	s29 =	sor.u32 $0x54000, s2;
	[dreg:$0x4] =	wrdreg s20  }
0xa: {  	s2 =	sor.u32 $0x60000, s2;
	s21 =	sadd.s32 s0, s5;
	[dreg:$0x7] =	wrdreg s23  }
0xb: {  	s7 =	sadd.s32 s0, s22;
	s8 =	sadd.s32 s0, s24;
	[dreg:$0x5] =	wrdreg s21  }
0xc: {  	s5 =	sadd.s32 s1, s5;
	s26 =	sadd.s32 s0, s25;
	[dreg:$0x6] =	wrdreg s7  }
0xd: {  	s6 =	sadd.s32 s1, s22;
	s31 =	sadd.s32 s0, s29;
	[dreg:$0x8] =	wrdreg s8  }
0xe: {  	s0 =	sadd.s32 s0, s2;
	s15 =	sadd.s32 s1, s25;
	[dreg:$0x9] =	wrdreg s5  }
0xf: {  	s16 =	sadd.s32 s1, s29;
	s17 =	sadd.s32 s1, s2;
	[dreg:$0xa] =	wrdreg s26  }
0x10: {  	s18 =	smax.u32 s4, $0x1;
	s20 =	simm.s32 $0x1000;
	[dreg:$0xb] =	wrdreg s6  }
0x11: {  	s25 =	simm.s32 $0x1;
	s2 =	simm.s32 $0x5;
	[dreg:$0xc] =	wrdreg s31  }
0x12: {  	s4 =	simm.s32 $0x0;
	s7 =	sadd.s32 s1, s24;
	[dreg:$0xe] =	wrdreg s0  }
0x13: {  	s21 =	simm.s32 $0x20000;
	s24 =	simm.s32 $0x7;
	s26 =	simm.s32 $0xF080  }
0x14: {  	s0 =	simm.s32 $0x4;
	s1 =	simm.s32 $0x6;
	[dreg:$0xd] =	wrdreg s7  }
.LBB2_1:
0x15: {  	s5 =	rddreg [dreg:$0x4]  }
0x16: {  	[tilespmem:s19], [sflag:$0x1] =	stream.linear.gather [hbm4b:s5+s3], $0x1000, $0x38;
	[tilespmem:$0x1E080] =	vst v63  }
0x17: {  	s22 =	rddreg [dreg:$0x5];
	s6 =	simm.s32 $0x5080  }
0x18: {  	[tilespmem:s6], [sflag:$0x2] =	stream.strided.gather [hbm4b:s22+s20], $0x5000, s21, s20, $0x38;
	[tilespmem:$0x1E080] =	vst v63  }
0x19: {  	s23 =	rddreg [dreg:$0x6];
	s29 =	simm.s32 $0xA080  }
0x1a: {  	[tilespmem:s29], [sflag:$0x3] =	stream.strided.gather [hbm4b:s23+s20], $0x5000, s21, s20, $0x38;
	[tilespmem:$0x1E080] =	vst v63  }
0x1b: {  	s31 =	rddreg [dreg:$0x1]  }
0x1c: {  	[tilespmem:s3], [sflag:$0x7] =	stream.linear.gather [hbm4b:s31+s3], $0x80, $0x38;
	[tilespmem:$0x1E080] =	vst v63  }
0x1d: {  	_ =	swait.ge [sflag:s24], $0x80  }
0x1e: {  	p0 =	por $0x0, $0x0;
	s5 =	simm.s32 $0x1;
	[sflag:s24] =	ssyncset.done $0x0  }
0x1f: {  	s5 =	simm.s32 @!p0 $0x0;
	[sflag:s24] =	ssyncadd.s32 $0xFFFFFF80  }
0x20: {  	s5 =	sshll.u32 s5, $0xB;
	v0 =	vld [tilespmem:$0x0];
	_ =	swait.ge [sflag:s25], $0x1000  }
0x21: {  	s5 =	sadd.s32 $0x0, s5;
	[sflag:s25] =	ssyncset.done $0x0  }
0x22: {  	s7 =	sor.u32 $0x470, s5;
	[sflag:s25] =	ssyncadd.s32 $0xFFFFF000  }
0x23: {  	s9 =	sor.u32 $0x40, s5;
	v1 =	vld [tilespmem:s7+$0x80]  }
0x24: {  	s23 =	sor.u32 $0x50, s5;
	v2 =	vld [tilespmem:s9+$0x80]  }
0x25: {  	s10 =	sor.u32 $0x60, s5;
	v3 =	vld [tilespmem:s23+$0x80]  }
0x26: {  	s11 =	sor.u32 $0x70, s5;
	v6 =	vld [tilespmem:s10+$0x80]  }
0x27: {  	s22 =	sor.u32 $0x440, s5;
	v7 =	vld [tilespmem:s11+$0x80]  }
0x28: {  	s8 =	sor.u32 $0x450, s5;
	v8 =	vld [tilespmem:s22+$0x80];
	v1 =	vperm.xlane v0, v1  }
0x29: {  	s12 =	sand.u32 $0x800, s3;
	s29 =	sand.u32 $0x380, s3;
	s6 =	sor.u32 $0x460, s5;
	v9 =	vld [tilespmem:s8+$0x80];
	v2 =	vperm.xlane v0, v2  }
0x2a: {  	s5 =	sor.u32 s29, s12;
	v5 =	vld [tilespmem:s6+$0x80];
	v10 =	vperm.xlane v0, v3;
	[tilespmem:s7+$0xF080] =	vst v1  }
0x2b: {  	v4 =	vld [tilespmem:s5+$0x80];
	[tilespmem:s9+$0xF080] =	vst v2;
	v1 =	vperm.xlane v0, v6  }
0x2c: {  	v3 =	vld [tilespmem:s5+$0x90];
	[tilespmem:s23+$0xF080] =	vst v10;
	v6 =	vperm.xlane v0, v7  }
0x2d: {  	p0 =	por !p0, !p0;
	v2 =	vld [tilespmem:s5+$0xA0];
	[tilespmem:s10+$0xF080] =	vst v1  }
0x2e: {  	s7 =	simm.s32 $0x0;
	v7 =	vperm.xlane v0, v8;
	s9 =	simm.s32 $0x0;
	s23 =	simm.s32 $0x0;
	v1 =	vld [tilespmem:s5+$0xB0];
	[tilespmem:s11+$0xF080] =	vst v6;
	v6 =	vperm.xlane v0, v9  }
.LBB2_2:
0x2f: {  	s10 =	simm.s32 $0x1  }
0x30: {  	s7 =	sadd.s32 $0x10, s7;
	v8 =	vld [tilespmem:s5+$0x480];
	[tilespmem:s22+$0xF080] =	vst v7;
	v5 =	vperm.xlane v0, v5;
	s9 =	sadd.s32 $0x800, s9;
	s10 =	simm.s32 @!p0 $0x0  }
0x31: {  	s23 =	sadd.s32 $0x40, s23;
	p1 =	slt.u32 s7, $0xF0;
	v4 =	vperm.xlane v0, v4;
	s10 =	sshll.u32 s10, $0xB;
	v7 =	vld [tilespmem:s5+$0x490];
	[tilespmem:s8+$0xF080] =	vst v6  }
0x32: {  	s11 =	sand.u32 $0x380, s23;
	s8 =	sand.u32 $0x800, s9;
	v3 =	vperm.xlane v0, v3;
	s10 =	sadd.s32 s10, s23;
	v6 =	vld [tilespmem:s5+$0x4A0];
	[tilespmem:s6+$0xF080] =	vst v5  }
0x33: {  	v2 =	vperm.xlane v0, v2;
	s12 =	sor.u32 $0x40, s10;
	s29 =	sor.u32 $0x50, s10;
	s13 =	sor.u32 $0x470, s10;
	[tilespmem:s5+$0xF080] =	vst v4;
	v4 =	vld [tilespmem:s5+$0x4B0]  }
0x34: {  	s31 =	sor.u32 $0x60, s10;
	s14 =	sor.u32 $0x70, s10;
	s22 =	sor.u32 $0x440, s10;
	v1 =	vperm.xlane v0, v1;
	v5 =	vld [tilespmem:s13+$0x80];
	[tilespmem:s5+$0xF090] =	vst v3  }
0x35: {  	s11 =	sor.u32 s11, s8;
	s8 =	sor.u32 $0x450, s10;
	s6 =	sor.u32 $0x460, s10;
	v3 =	vld [tilespmem:s12+$0x80];
	[tilespmem:s5+$0xF0A0] =	vst v2;
	v2 =	vperm.xlane v0, v8  }
0x36: {  	v8 =	vld [tilespmem:s29+$0x80];
	[tilespmem:s5+$0xF0B0] =	vst v1;
	v1 =	vperm.xlane v0, v7  }
0x37: {  	v7 =	vld [tilespmem:s31+$0x80];
	[tilespmem:s5+$0xF480] =	vst v2;
	v2 =	vperm.xlane v0, v6  }
0x38: {  	v6 =	vld [tilespmem:s14+$0x80];
	[tilespmem:s5+$0xF490] =	vst v1;
	v1 =	vperm.xlane v0, v4  }
0x39: {  	v9 =	vld [tilespmem:s22+$0x80];
	v4 =	vperm.xlane v0, v5;
	[tilespmem:s5+$0xF4A0] =	vst v2  }
0x3a: {  	v2 =	vperm.xlane v0, v3;
	v10 =	vld [tilespmem:s8+$0x80];
	[tilespmem:s5+$0xF4B0] =	vst v1;
	s5 =	smov.u32 s11  }
.Ltmp0:
0x3b: {  	v1 =	vperm.xlane v0, v8;
	v5 =	vld [tilespmem:s6+$0x80];
	[tilespmem:s13+$0xF080] =	vst v4;
	(pc) =	sbr.rel @p1 .LBB2_2-.Ltmp0, $4  }
0x3c: {  	v4 =	vld [tilespmem:s5+$0x80];
	[tilespmem:s12+$0xF080] =	vst v2;
	v7 =	vperm.xlane v0, v7  }
0x3d: {  	v3 =	vld [tilespmem:s5+$0x90];
	[tilespmem:s29+$0xF080] =	vst v1;
	v6 =	vperm.xlane v0, v6  }
0x3e: {  	v2 =	vld [tilespmem:s5+$0xA0];
	[tilespmem:s31+$0xF080] =	vst v7;
	v7 =	vperm.xlane v0, v9  }
0x3f: {  	p0 =	por !p0, !p0;
	v1 =	vld [tilespmem:s5+$0xB0];
	[tilespmem:s14+$0xF080] =	vst v6;
	v6 =	vperm.xlane v0, v10  }
0x40: {  	v8 =	vld [tilespmem:s5+$0x480];
	[tilespmem:s22+$0xF080] =	vst v7;
	v5 =	vperm.xlane v0, v5  }
0x41: {  	v7 =	vld [tilespmem:s5+$0x490];
	v4 =	vperm.xlane v0, v4;
	[tilespmem:s8+$0xF080] =	vst v6  }
0x42: {  	v6 =	vld [tilespmem:s5+$0x4A0];
	v3 =	vperm.xlane v0, v3;
	[tilespmem:s6+$0xF080] =	vst v5  }
0x43: {  	[tilespmem:s5+$0xF080] =	vst v4;
	v2 =	vperm.xlane v0, v2;
	v4 =	vld [tilespmem:s5+$0x4B0]  }
0x44: {  	[tilespmem:s5+$0xF090] =	vst v3;
	v1 =	vperm.xlane v0, v1  }
0x45: {  	[tilespmem:s5+$0xF0A0] =	vst v2;
	v2 =	vperm.xlane v0, v8  }
0x46: {  	[tilespmem:s5+$0xF0B0] =	vst v1;
	v1 =	vperm.xlane v0, v7  }
0x47: {  	[tilespmem:s5+$0xF480] =	vst v2;
	v2 =	vperm.xlane v0, v6  }
0x48: {  	[tilespmem:s5+$0xF490] =	vst v1;
	v1 =	vperm.xlane v0, v4  }
0x49: {  	[tilespmem:s5+$0xF4A0] =	vst v2  }
0x4a: {  	[tilespmem:s5+$0xF4B0] =	vst v1  }
0x4b: {  	s23 =	simm.s32 $0x0;
	s6 =	rddreg [dreg:$0x7]  }
0x4c: {  	[hbm4b:s6+s23] =	stream.linear.scatter [tilespmem:s26], [sflag:$0x4], $0x1000, $0x38;
	[tilespmem:$0x1E080] =	vst v63  }
0x4d: {  	s29 =	rddreg [dreg:$0x8]  }
0x4e: {  	[tilespmem:s19], [sflag:$0x1] =	stream.strided.gather [hbm4b:s29+s20], $0x5000, s21, s20, $0x38;
	[tilespmem:$0x1E080] =	vst v63  }
0x4f: {  	s31 =	sand.u32 $0x7000, s23;
	s7 =	sand.u32 $0x800, s23;
	_ =	swait.ge [sflag:s28], $0x5000  }
0x50: {  	s5 =	sand.u32 $0x380, s23;
	s6 =	sor.u32 s7, s31;
	[sflag:s28] =	ssyncset.done $0x0  }
0x51: {  	s5 =	sor.u32 s5, s6;
	[sflag:s28] =	ssyncadd.s32 $0xFFFFB000  }
0x52: {  	v1 =	vld [tilespmem:s5+$0x54F0]  }
0x53: {  	v2 =	vld [tilespmem:s5+$0x5080]  }
0x54: {  	v3 =	vld [tilespmem:s5+$0x5090]  }
0x55: {  	v4 =	vld [tilespmem:s5+$0x50A0]  }
0x56: {  	v6 =	vld [tilespmem:s5+$0x50B0]  }
0x57: {  	v7 =	vld [tilespmem:s5+$0x50C0];
	v1 =	vperm.xlane v0, v1  }
0x58: {  	v8 =	vld [tilespmem:s5+$0x50D0];
	v2 =	vperm.xlane v0, v2  }
0x59: {  	v9 =	vld [tilespmem:s5+$0x50E0];
	v3 =	vperm.xlane v0, v3;
	[tilespmem:s5+$0x144F0] =	vst v1  }
0x5a: {  	v5 =	vld [tilespmem:s5+$0x50F0];
	[tilespmem:s5+$0x14080] =	vst v2;
	v1 =	vperm.xlane v0, v4  }
0x5b: {  	[tilespmem:s5+$0x14090] =	vst v3;
	v4 =	vperm.xlane v0, v6;
	v3 =	vld [tilespmem:s5+$0x5480]  }
0x5c: {  	v6 =	vperm.xlane v0, v7;
	v2 =	vld [tilespmem:s5+$0x5490];
	[tilespmem:s5+$0x140A0] =	vst v1  }
0x5d: {  	s9 =	simm.s32 $0x100;
	v7 =	vperm.xlane v0, v8;
	[tilespmem:s5+$0x140B0] =	vst v4;
	v1 =	vld [tilespmem:s5+$0x54A0]  }
0x5e: {  	s8 =	simm.s32 $0x800;
	s7 =	simm.s32 $0x40;
	s6 =	simm.s32 $0x0;
	[tilespmem:s5+$0x140C0] =	vst v6;
	v6 =	vperm.xlane v0, v9;
	v4 =	vld [tilespmem:s5+$0x54B0]  }
.LBB2_4:
0x5f: {  	s10 =	sand.u32 $0x7000, s9;
	s11 =	sand.u32 $0x800, s8;
	s6 =	sadd.s32 $0x10, s6;
	[tilespmem:s5+$0x140D0] =	vst v7;
	v5 =	vperm.xlane v0, v5;
	v7 =	vld [tilespmem:s5+$0x54C0]  }
0x60: {  	s10 =	sor.u32 s11, s10;
	s11 =	sand.u32 $0x380, s7;
	p0 =	slt.u32 s6, $0x4F0;
	[tilespmem:s5+$0x140E0] =	vst v6;
	v3 =	vperm.xlane v0, v3;
	v6 =	vld [tilespmem:s5+$0x54D0]  }
0x61: {  	s10 =	sor.u32 s11, s10;
	[tilespmem:s5+$0x140F0] =	vst v5;
	v2 =	vperm.xlane v0, v2;
	v5 =	vld [tilespmem:s5+$0x54E0]  }
0x62: {  	v8 =	vld [tilespmem:s10+$0x54F0];
	[tilespmem:s5+$0x14480] =	vst v3;
	v1 =	vperm.xlane v0, v1  }
0x63: {  	v3 =	vld [tilespmem:s10+$0x5080];
	[tilespmem:s5+$0x14490] =	vst v2;
	v2 =	vperm.xlane v0, v4  }
0x64: {  	v4 =	vld [tilespmem:s10+$0x5090];
	[tilespmem:s5+$0x144A0] =	vst v1;
	v1 =	vperm.xlane v0, v7  }
0x65: {  	v7 =	vld [tilespmem:s10+$0x50A0];
	[tilespmem:s5+$0x144B0] =	vst v2;
	v2 =	vperm.xlane v0, v6  }
0x66: {  	v6 =	vld [tilespmem:s10+$0x50B0];
	[tilespmem:s5+$0x144C0] =	vst v1;
	v1 =	vperm.xlane v0, v5  }
0x67: {  	v9 =	vld [tilespmem:s10+$0x50C0];
	v5 =	vperm.xlane v0, v8;
	[tilespmem:s5+$0x144D0] =	vst v2  }
0x68: {  	v2 =	vperm.xlane v0, v3;
	v8 =	vld [tilespmem:s10+$0x50D0];
	[tilespmem:s5+$0x144E0] =	vst v1;
	s5 =	smov.u32 s10  }
0x69: {  	v1 =	vperm.xlane v0, v4;
	v4 =	vld [tilespmem:s5+$0x50E0];
	[tilespmem:s5+$0x144F0] =	vst v5  }
.Ltmp1:
0x6a: {  	[tilespmem:s5+$0x14080] =	vst v2;
	v2 =	vperm.xlane v0, v7;
	v5 =	vld [tilespmem:s5+$0x50F0];
	(pc) =	sbr.rel @p0 .LBB2_4-.Ltmp1, $4  }
0x6b: {  	[tilespmem:s5+$0x14090] =	vst v1;
	v1 =	vperm.xlane v0, v6;
	v3 =	vld [tilespmem:s5+$0x5480]  }
0x6c: {  	[tilespmem:s5+$0x140A0] =	vst v2;
	v6 =	vperm.xlane v0, v9;
	v2 =	vld [tilespmem:s5+$0x5490]  }
0x6d: {  	[tilespmem:s5+$0x140B0] =	vst v1;
	v7 =	vperm.xlane v0, v8;
	v1 =	vld [tilespmem:s5+$0x54A0]  }
0x6e: {  	s8 =	sadd.s32 $0x800, s8;
	s9 =	sadd.s32 $0x100, s9;
	s7 =	sadd.s32 $0x40, s7;
	[tilespmem:s5+$0x140C0] =	vst v6;
	v6 =	vperm.xlane v0, v4;
	v4 =	vld [tilespmem:s5+$0x54B0]  }
0x6f: {  	[tilespmem:s5+$0x140D0] =	vst v7;
	v5 =	vperm.xlane v0, v5;
	v7 =	vld [tilespmem:s5+$0x54C0]  }
0x70: {  	[tilespmem:s5+$0x140E0] =	vst v6;
	v3 =	vperm.xlane v0, v3;
	v6 =	vld [tilespmem:s5+$0x54D0]  }
0x71: {  	[tilespmem:s5+$0x140F0] =	vst v5;
	v2 =	vperm.xlane v0, v2;
	v5 =	vld [tilespmem:s5+$0x54E0]  }
0x72: {  	[tilespmem:s5+$0x14480] =	vst v3;
	v1 =	vperm.xlane v0, v1  }
0x73: {  	[tilespmem:s5+$0x14490] =	vst v2;
	v2 =	vperm.xlane v0, v4  }
0x74: {  	[tilespmem:s5+$0x144A0] =	vst v1;
	v1 =	vperm.xlane v0, v7  }
0x75: {  	[tilespmem:s5+$0x144B0] =	vst v2;
	v2 =	vperm.xlane v0, v6  }
0x76: {  	[tilespmem:s5+$0x144C0] =	vst v1;
	v1 =	vperm.xlane v0, v5  }
0x77: {  	[tilespmem:s5+$0x144D0] =	vst v2  }
0x78: {  	[tilespmem:s5+$0x144E0] =	vst v1  }
0x79: {  	s6 =	simm.s32 $0x14080;
	s5 =	rddreg [dreg:$0x9]  }
0x7a: {  	[hbm4b:s5+s20] =	stream.strided.scatter [tilespmem:s6], [sflag:$0x5], $0x5000, s21, s20, $0x38;
	[tilespmem:$0x1E080] =	vst v63  }
0x7b: {  	s23 =	simm.s32 $0x5080;
	s29 =	simm.s32 $0x0;
	s22 =	rddreg [dreg:$0xa]  }
0x7c: {  	[tilespmem:s23], [sflag:$0x2] =	stream.strided.gather [hbm4b:s22+s20], $0x5000, s21, s20, $0x38;
	[tilespmem:$0x1E080] =	vst v63  }
0x7d: {  	s31 =	sand.u32 $0x7000, s29;
	s7 =	sand.u32 $0x800, s29;
	_ =	swait.ge [sflag:s30], $0x5000  }
0x7e: {  	s6 =	sor.u32 s7, s31;
	s5 =	sand.u32 $0x380, s29;
	[sflag:s30] =	ssyncset.done $0x0  }
0x7f: {  	s5 =	sor.u32 s5, s6;
	[sflag:s30] =	ssyncadd.s32 $0xFFFFB000  }
0x80: {  	v1 =	vld [tilespmem:s5+$0xA4F0]  }
0x81: {  	v2 =	vld [tilespmem:s5+$0xA080]  }
0x82: {  	v3 =	vld [tilespmem:s5+$0xA090]  }
0x83: {  	v4 =	vld [tilespmem:s5+$0xA0A0]  }
0x84: {  	v6 =	vld [tilespmem:s5+$0xA0B0]  }
0x85: {  	v7 =	vld [tilespmem:s5+$0xA0C0];
	v1 =	vperm.xlane v0, v1  }
0x86: {  	v8 =	vld [tilespmem:s5+$0xA0D0];
	v2 =	vperm.xlane v0, v2  }
0x87: {  	v9 =	vld [tilespmem:s5+$0xA0E0];
	v3 =	vperm.xlane v0, v3;
	[tilespmem:s5+$0x194F0] =	vst v1  }
0x88: {  	v5 =	vld [tilespmem:s5+$0xA0F0];
	[tilespmem:s5+$0x19080] =	vst v2;
	v1 =	vperm.xlane v0, v4  }
0x89: {  	[tilespmem:s5+$0x19090] =	vst v3;
	v4 =	vperm.xlane v0, v6;
	v3 =	vld [tilespmem:s5+$0xA480]  }
0x8a: {  	v6 =	vperm.xlane v0, v7;
	v2 =	vld [tilespmem:s5+$0xA490];
	[tilespmem:s5+$0x190A0] =	vst v1  }
0x8b: {  	s8 =	simm.s32 $0x800;
	v7 =	vperm.xlane v0, v8;
	[tilespmem:s5+$0x190B0] =	vst v4;
	v1 =	vld [tilespmem:s5+$0xA4A0]  }
0x8c: {  	s9 =	simm.s32 $0x100;
	s7 =	simm.s32 $0x40;
	s6 =	simm.s32 $0x0;
	[tilespmem:s5+$0x190C0] =	vst v6;
	v6 =	vperm.xlane v0, v9;
	v4 =	vld [tilespmem:s5+$0xA4B0]  }
.LBB2_6:
0x8d: {  	s10 =	sand.u32 $0x7000, s9;
	s11 =	sand.u32 $0x800, s8;
	s6 =	sadd.s32 $0x10, s6;
	[tilespmem:s5+$0x190D0] =	vst v7;
	v5 =	vperm.xlane v0, v5;
	v7 =	vld [tilespmem:s5+$0xA4C0]  }
0x8e: {  	s10 =	sor.u32 s11, s10;
	s11 =	sand.u32 $0x380, s7;
	p0 =	slt.u32 s6, $0x4F0;
	[tilespmem:s5+$0x190E0] =	vst v6;
	v3 =	vperm.xlane v0, v3;
	v6 =	vld [tilespmem:s5+$0xA4D0]  }
0x8f: {  	s10 =	sor.u32 s11, s10;
	[tilespmem:s5+$0x190F0] =	vst v5;
	v2 =	vperm.xlane v0, v2;
	v5 =	vld [tilespmem:s5+$0xA4E0]  }
0x90: {  	v8 =	vld [tilespmem:s10+$0xA4F0];
	[tilespmem:s5+$0x19480] =	vst v3;
	v1 =	vperm.xlane v0, v1  }
0x91: {  	v3 =	vld [tilespmem:s10+$0xA080];
	[tilespmem:s5+$0x19490] =	vst v2;
	v2 =	vperm.xlane v0, v4  }
0x92: {  	v4 =	vld [tilespmem:s10+$0xA090];
	[tilespmem:s5+$0x194A0] =	vst v1;
	v1 =	vperm.xlane v0, v7  }
0x93: {  	v7 =	vld [tilespmem:s10+$0xA0A0];
	[tilespmem:s5+$0x194B0] =	vst v2;
	v2 =	vperm.xlane v0, v6  }
0x94: {  	v6 =	vld [tilespmem:s10+$0xA0B0];
	[tilespmem:s5+$0x194C0] =	vst v1;
	v1 =	vperm.xlane v0, v5  }
0x95: {  	v9 =	vld [tilespmem:s10+$0xA0C0];
	v5 =	vperm.xlane v0, v8;
	[tilespmem:s5+$0x194D0] =	vst v2  }
0x96: {  	v2 =	vperm.xlane v0, v3;
	v8 =	vld [tilespmem:s10+$0xA0D0];
	[tilespmem:s5+$0x194E0] =	vst v1;
	s5 =	smov.u32 s10  }
0x97: {  	v1 =	vperm.xlane v0, v4;
	v4 =	vld [tilespmem:s5+$0xA0E0];
	[tilespmem:s5+$0x194F0] =	vst v5  }
.Ltmp2:
0x98: {  	[tilespmem:s5+$0x19080] =	vst v2;
	v2 =	vperm.xlane v0, v7;
	v5 =	vld [tilespmem:s5+$0xA0F0];
	(pc) =	sbr.rel @p0 .LBB2_6-.Ltmp2, $4  }
0x99: {  	[tilespmem:s5+$0x19090] =	vst v1;
	v1 =	vperm.xlane v0, v6;
	v3 =	vld [tilespmem:s5+$0xA480]  }
0x9a: {  	[tilespmem:s5+$0x190A0] =	vst v2;
	v6 =	vperm.xlane v0, v9;
	v2 =	vld [tilespmem:s5+$0xA490]  }
0x9b: {  	[tilespmem:s5+$0x190B0] =	vst v1;
	v7 =	vperm.xlane v0, v8;
	v1 =	vld [tilespmem:s5+$0xA4A0]  }
0x9c: {  	s8 =	sadd.s32 $0x800, s8;
	s9 =	sadd.s32 $0x100, s9;
	s7 =	sadd.s32 $0x40, s7;
	[tilespmem:s5+$0x190C0] =	vst v6;
	v6 =	vperm.xlane v0, v4;
	v4 =	vld [tilespmem:s5+$0xA4B0]  }
0x9d: {  	[tilespmem:s5+$0x190D0] =	vst v7;
	v5 =	vperm.xlane v0, v5;
	v7 =	vld [tilespmem:s5+$0xA4C0]  }
0x9e: {  	[tilespmem:s5+$0x190E0] =	vst v6;
	v3 =	vperm.xlane v0, v3;
	v6 =	vld [tilespmem:s5+$0xA4D0]  }
0x9f: {  	[tilespmem:s5+$0x190F0] =	vst v5;
	v2 =	vperm.xlane v0, v2;
	v5 =	vld [tilespmem:s5+$0xA4E0]  }
0xa0: {  	[tilespmem:s5+$0x19480] =	vst v3;
	v1 =	vperm.xlane v0, v1  }
0xa1: {  	[tilespmem:s5+$0x19490] =	vst v2;
	v2 =	vperm.xlane v0, v4  }
0xa2: {  	[tilespmem:s5+$0x194A0] =	vst v1;
	v1 =	vperm.xlane v0, v7  }
0xa3: {  	[tilespmem:s5+$0x194B0] =	vst v2;
	v2 =	vperm.xlane v0, v6  }
0xa4: {  	[tilespmem:s5+$0x194C0] =	vst v1;
	v1 =	vperm.xlane v0, v5  }
0xa5: {  	[tilespmem:s5+$0x194D0] =	vst v2  }
0xa6: {  	[tilespmem:s5+$0x194E0] =	vst v1  }
0xa7: {  	s6 =	simm.s32 $0x19080;
	s5 =	rddreg [dreg:$0xb]  }
0xa8: {  	[hbm4b:s5+s20] =	stream.strided.scatter [tilespmem:s6], [sflag:$0x6], $0x5000, s21, s20, $0x38;
	[tilespmem:$0x1E080] =	vst v63  }
0xa9: {  	s23 =	simm.s32 $0xA080;
	s22 =	rddreg [dreg:$0xc]  }
0xaa: {  	[tilespmem:s23], [sflag:$0x3] =	stream.strided.gather [hbm4b:s22+s20], $0x3000, s21, s20, $0x38;
	[tilespmem:$0x1E080] =	vst v63  }
0xab: {  	_ =	swait.ge [sflag:s25], $0x5000  }
0xac: {  	[sflag:s25] =	ssyncset.done $0x0  }
0xad: {  	s29 =	simm.s32 $0x0;
	[sflag:s25] =	ssyncadd.s32 $0xFFFFB000  }
0xae: {  	s31 =	sand.u32 $0x7000, s29;
	s7 =	sand.u32 $0x800, s29;
	_ =	swait.ge [sflag:s0], $0x1000  }
0xaf: {  	s6 =	sor.u32 s7, s31;
	s5 =	sand.u32 $0x380, s29;
	[sflag:s0] =	ssyncset.done $0x0  }
0xb0: {  	s5 =	sor.u32 s5, s6;
	[sflag:s0] =	ssyncadd.s32 $0xFFFFF000  }
0xb1: {  	v1 =	vld [tilespmem:s5+$0x4F0]  }
0xb2: {  	v2 =	vld [tilespmem:s5+$0x80]  }
0xb3: {  	v3 =	vld [tilespmem:s5+$0x90]  }
0xb4: {  	v4 =	vld [tilespmem:s5+$0xA0]  }
0xb5: {  	v6 =	vld [tilespmem:s5+$0xB0]  }
0xb6: {  	v7 =	vld [tilespmem:s5+$0xC0];
	v1 =	vperm.xlane v0, v1  }
0xb7: {  	v8 =	vld [tilespmem:s5+$0xD0];
	v2 =	vperm.xlane v0, v2  }
0xb8: {  	v9 =	vld [tilespmem:s5+$0xE0];
	v3 =	vperm.xlane v0, v3;
	[tilespmem:s5+$0xF4F0] =	vst v1  }
0xb9: {  	v5 =	vld [tilespmem:s5+$0xF0];
	[tilespmem:s5+$0xF080] =	vst v2;
	v1 =	vperm.xlane v0, v4  }
0xba: {  	[tilespmem:s5+$0xF090] =	vst v3;
	v4 =	vperm.xlane v0, v6;
	v3 =	vld [tilespmem:s5+$0x480]  }
0xbb: {  	v6 =	vperm.xlane v0, v7;
	v2 =	vld [tilespmem:s5+$0x490];
	[tilespmem:s5+$0xF0A0] =	vst v1  }
0xbc: {  	s8 =	simm.s32 $0x800;
	v7 =	vperm.xlane v0, v8;
	[tilespmem:s5+$0xF0B0] =	vst v4;
	v1 =	vld [tilespmem:s5+$0x4A0]  }
0xbd: {  	s9 =	simm.s32 $0x100;
	s7 =	simm.s32 $0x40;
	s6 =	simm.s32 $0x0;
	[tilespmem:s5+$0xF0C0] =	vst v6;
	v6 =	vperm.xlane v0, v9;
	v4 =	vld [tilespmem:s5+$0x4B0]  }
.LBB2_8:
0xbe: {  	s10 =	sand.u32 $0x7000, s9;
	s11 =	sand.u32 $0x800, s8;
	s6 =	sadd.s32 $0x10, s6;
	[tilespmem:s5+$0xF0D0] =	vst v7;
	v5 =	vperm.xlane v0, v5;
	v7 =	vld [tilespmem:s5+$0x4C0]  }
0xbf: {  	s10 =	sor.u32 s11, s10;
	s11 =	sand.u32 $0x380, s7;
	p0 =	slt.u32 s6, $0x4F0;
	[tilespmem:s5+$0xF0E0] =	vst v6;
	v3 =	vperm.xlane v0, v3;
	v6 =	vld [tilespmem:s5+$0x4D0]  }
0xc0: {  	s10 =	sor.u32 s11, s10;
	[tilespmem:s5+$0xF0F0] =	vst v5;
	v2 =	vperm.xlane v0, v2;
	v5 =	vld [tilespmem:s5+$0x4E0]  }
0xc1: {  	v8 =	vld [tilespmem:s10+$0x4F0];
	[tilespmem:s5+$0xF480] =	vst v3;
	v1 =	vperm.xlane v0, v1  }
0xc2: {  	v3 =	vld [tilespmem:s10+$0x80];
	[tilespmem:s5+$0xF490] =	vst v2;
	v2 =	vperm.xlane v0, v4  }
0xc3: {  	v4 =	vld [tilespmem:s10+$0x90];
	[tilespmem:s5+$0xF4A0] =	vst v1;
	v1 =	vperm.xlane v0, v7  }
0xc4: {  	v7 =	vld [tilespmem:s10+$0xA0];
	[tilespmem:s5+$0xF4B0] =	vst v2;
	v2 =	vperm.xlane v0, v6  }
0xc5: {  	v6 =	vld [tilespmem:s10+$0xB0];
	[tilespmem:s5+$0xF4C0] =	vst v1;
	v1 =	vperm.xlane v0, v5  }
0xc6: {  	v9 =	vld [tilespmem:s10+$0xC0];
	v5 =	vperm.xlane v0, v8;
	[tilespmem:s5+$0xF4D0] =	vst v2  }
0xc7: {  	v2 =	vperm.xlane v0, v3;
	v8 =	vld [tilespmem:s10+$0xD0];
	[tilespmem:s5+$0xF4E0] =	vst v1;
	s5 =	smov.u32 s10  }
0xc8: {  	v1 =	vperm.xlane v0, v4;
	v4 =	vld [tilespmem:s5+$0xE0];
	[tilespmem:s5+$0xF4F0] =	vst v5  }
.Ltmp3:
0xc9: {  	[tilespmem:s5+$0xF080] =	vst v2;
	v2 =	vperm.xlane v0, v7;
	v5 =	vld [tilespmem:s5+$0xF0];
	(pc) =	sbr.rel @p0 .LBB2_8-.Ltmp3, $4  }
0xca: {  	[tilespmem:s5+$0xF090] =	vst v1;
	v1 =	vperm.xlane v0, v6;
	v3 =	vld [tilespmem:s5+$0x480]  }
0xcb: {  	[tilespmem:s5+$0xF0A0] =	vst v2;
	v6 =	vperm.xlane v0, v9;
	v2 =	vld [tilespmem:s5+$0x490]  }
0xcc: {  	[tilespmem:s5+$0xF0B0] =	vst v1;
	v7 =	vperm.xlane v0, v8;
	v1 =	vld [tilespmem:s5+$0x4A0]  }
0xcd: {  	s8 =	sadd.s32 $0x800, s8;
	s9 =	sadd.s32 $0x100, s9;
	s7 =	sadd.s32 $0x40, s7;
	[tilespmem:s5+$0xF0C0] =	vst v6;
	v6 =	vperm.xlane v0, v4;
	v4 =	vld [tilespmem:s5+$0x4B0]  }
0xce: {  	[tilespmem:s5+$0xF0D0] =	vst v7;
	v5 =	vperm.xlane v0, v5;
	v7 =	vld [tilespmem:s5+$0x4C0]  }
0xcf: {  	[tilespmem:s5+$0xF0E0] =	vst v6;
	v3 =	vperm.xlane v0, v3;
	v6 =	vld [tilespmem:s5+$0x4D0]  }
0xd0: {  	[tilespmem:s5+$0xF0F0] =	vst v5;
	v2 =	vperm.xlane v0, v2;
	v5 =	vld [tilespmem:s5+$0x4E0]  }
0xd1: {  	[tilespmem:s5+$0xF480] =	vst v3;
	v1 =	vperm.xlane v0, v1  }
0xd2: {  	[tilespmem:s5+$0xF490] =	vst v2;
	v2 =	vperm.xlane v0, v4  }
0xd3: {  	[tilespmem:s5+$0xF4A0] =	vst v1;
	v1 =	vperm.xlane v0, v7  }
0xd4: {  	[tilespmem:s5+$0xF4B0] =	vst v2;
	v2 =	vperm.xlane v0, v6  }
0xd5: {  	[tilespmem:s5+$0xF4C0] =	vst v1;
	v1 =	vperm.xlane v0, v5  }
0xd6: {  	[tilespmem:s5+$0xF4D0] =	vst v2  }
0xd7: {  	[tilespmem:s5+$0xF4E0] =	vst v1  }
0xd8: {  	s5 =	rddreg [dreg:$0xd]  }
0xd9: {  	[hbm4b:s5+s20] =	stream.strided.scatter [tilespmem:s26], [sflag:$0x4], $0x5000, s21, s20, $0x38;
	[tilespmem:$0x1E080] =	vst v63  }
0xda: {  	s29 =	simm.s32 $0x0;
	s6 =	rddreg [dreg:$0xe]  }
0xdb: {  	[tilespmem:s19], [sflag:$0x1] =	stream.linear.gather [hbm4b:s6+s29], $0x1000, $0x38;
	[tilespmem:$0x1E080] =	vst v63  }
0xdc: {  	_ =	swait.ge [sflag:s28], $0x5000  }
0xdd: {  	[sflag:s28] =	ssyncset.done $0x0  }
0xde: {  	[sflag:s28] =	ssyncadd.s32 $0xFFFFB000  }
0xdf: {  	s31 =	sand.u32 $0x7000, s29;
	s7 =	sand.u32 $0x800, s29;
	_ =	swait.ge [sflag:s2], $0x5000  }
0xe0: {  	s5 =	sand.u32 $0x380, s29;
	s6 =	sor.u32 s7, s31;
	[sflag:s2] =	ssyncset.done $0x0  }
0xe1: {  	s5 =	sor.u32 s5, s6;
	[sflag:s2] =	ssyncadd.s32 $0xFFFFB000  }
0xe2: {  	v1 =	vld [tilespmem:s5+$0x54F0]  }
0xe3: {  	v2 =	vld [tilespmem:s5+$0x5080]  }
0xe4: {  	v3 =	vld [tilespmem:s5+$0x5090]  }
0xe5: {  	v4 =	vld [tilespmem:s5+$0x50A0]  }
0xe6: {  	v6 =	vld [tilespmem:s5+$0x50B0]  }
0xe7: {  	v7 =	vld [tilespmem:s5+$0x50C0];
	v1 =	vperm.xlane v0, v1  }
0xe8: {  	v8 =	vld [tilespmem:s5+$0x50D0];
	v2 =	vperm.xlane v0, v2  }
0xe9: {  	v9 =	vld [tilespmem:s5+$0x50E0];
	v3 =	vperm.xlane v0, v3;
	[tilespmem:s5+$0x144F0] =	vst v1  }
0xea: {  	v5 =	vld [tilespmem:s5+$0x50F0];
	[tilespmem:s5+$0x14080] =	vst v2;
	v1 =	vperm.xlane v0, v4  }
0xeb: {  	[tilespmem:s5+$0x14090] =	vst v3;
	v4 =	vperm.xlane v0, v6;
	v3 =	vld [tilespmem:s5+$0x5480]  }
0xec: {  	v6 =	vperm.xlane v0, v7;
	v2 =	vld [tilespmem:s5+$0x5490];
	[tilespmem:s5+$0x140A0] =	vst v1  }
0xed: {  	s8 =	simm.s32 $0x800;
	v7 =	vperm.xlane v0, v8;
	[tilespmem:s5+$0x140B0] =	vst v4;
	v1 =	vld [tilespmem:s5+$0x54A0]  }
0xee: {  	s9 =	simm.s32 $0x100;
	s7 =	simm.s32 $0x40;
	s6 =	simm.s32 $0x0;
	[tilespmem:s5+$0x140C0] =	vst v6;
	v6 =	vperm.xlane v0, v9;
	v4 =	vld [tilespmem:s5+$0x54B0]  }
.LBB2_10:
0xef: {  	s10 =	sand.u32 $0x7000, s9;
	s11 =	sand.u32 $0x800, s8;
	s6 =	sadd.s32 $0x10, s6;
	[tilespmem:s5+$0x140D0] =	vst v7;
	v5 =	vperm.xlane v0, v5;
	v7 =	vld [tilespmem:s5+$0x54C0]  }
0xf0: {  	s10 =	sor.u32 s11, s10;
	s11 =	sand.u32 $0x380, s7;
	p0 =	slt.u32 s6, $0x4F0;
	[tilespmem:s5+$0x140E0] =	vst v6;
	v3 =	vperm.xlane v0, v3;
	v6 =	vld [tilespmem:s5+$0x54D0]  }
0xf1: {  	s10 =	sor.u32 s11, s10;
	[tilespmem:s5+$0x140F0] =	vst v5;
	v2 =	vperm.xlane v0, v2;
	v5 =	vld [tilespmem:s5+$0x54E0]  }
0xf2: {  	v8 =	vld [tilespmem:s10+$0x54F0];
	[tilespmem:s5+$0x14480] =	vst v3;
	v1 =	vperm.xlane v0, v1  }
0xf3: {  	v3 =	vld [tilespmem:s10+$0x5080];
	[tilespmem:s5+$0x14490] =	vst v2;
	v2 =	vperm.xlane v0, v4  }
0xf4: {  	v4 =	vld [tilespmem:s10+$0x5090];
	[tilespmem:s5+$0x144A0] =	vst v1;
	v1 =	vperm.xlane v0, v7  }
0xf5: {  	v7 =	vld [tilespmem:s10+$0x50A0];
	[tilespmem:s5+$0x144B0] =	vst v2;
	v2 =	vperm.xlane v0, v6  }
0xf6: {  	v6 =	vld [tilespmem:s10+$0x50B0];
	[tilespmem:s5+$0x144C0] =	vst v1;
	v1 =	vperm.xlane v0, v5  }
0xf7: {  	v9 =	vld [tilespmem:s10+$0x50C0];
	v5 =	vperm.xlane v0, v8;
	[tilespmem:s5+$0x144D0] =	vst v2  }
0xf8: {  	v2 =	vperm.xlane v0, v3;
	v8 =	vld [tilespmem:s10+$0x50D0];
	[tilespmem:s5+$0x144E0] =	vst v1;
	s5 =	smov.u32 s10  }
0xf9: {  	v1 =	vperm.xlane v0, v4;
	v4 =	vld [tilespmem:s5+$0x50E0];
	[tilespmem:s5+$0x144F0] =	vst v5  }
.Ltmp4:
0xfa: {  	[tilespmem:s5+$0x14080] =	vst v2;
	v2 =	vperm.xlane v0, v7;
	v5 =	vld [tilespmem:s5+$0x50F0];
	(pc) =	sbr.rel @p0 .LBB2_10-.Ltmp4, $4  }
0xfb: {  	[tilespmem:s5+$0x14090] =	vst v1;
	v1 =	vperm.xlane v0, v6;
	v3 =	vld [tilespmem:s5+$0x5480]  }
0xfc: {  	[tilespmem:s5+$0x140A0] =	vst v2;
	v6 =	vperm.xlane v0, v9;
	v2 =	vld [tilespmem:s5+$0x5490]  }
0xfd: {  	[tilespmem:s5+$0x140B0] =	vst v1;
	v7 =	vperm.xlane v0, v8;
	v1 =	vld [tilespmem:s5+$0x54A0]  }
0xfe: {  	s8 =	sadd.s32 $0x800, s8;
	s9 =	sadd.s32 $0x100, s9;
	s7 =	sadd.s32 $0x40, s7;
	[tilespmem:s5+$0x140C0] =	vst v6;
	v6 =	vperm.xlane v0, v4;
	v4 =	vld [tilespmem:s5+$0x54B0]  }
0xff: {  	[tilespmem:s5+$0x140D0] =	vst v7;
	v5 =	vperm.xlane v0, v5;
	v7 =	vld [tilespmem:s5+$0x54C0]  }
0x100: {  	[tilespmem:s5+$0x140E0] =	vst v6;
	v3 =	vperm.xlane v0, v3;
	v6 =	vld [tilespmem:s5+$0x54D0]  }
0x101: {  	[tilespmem:s5+$0x140F0] =	vst v5;
	v2 =	vperm.xlane v0, v2;
	v5 =	vld [tilespmem:s5+$0x54E0]  }
0x102: {  	[tilespmem:s5+$0x14480] =	vst v3;
	v1 =	vperm.xlane v0, v1  }
0x103: {  	[tilespmem:s5+$0x14490] =	vst v2;
	v2 =	vperm.xlane v0, v4  }
0x104: {  	[tilespmem:s5+$0x144A0] =	vst v1;
	v1 =	vperm.xlane v0, v7  }
0x105: {  	[tilespmem:s5+$0x144B0] =	vst v2;
	v2 =	vperm.xlane v0, v6  }
0x106: {  	[tilespmem:s5+$0x144C0] =	vst v1;
	v1 =	vperm.xlane v0, v5  }
0x107: {  	[tilespmem:s5+$0x144D0] =	vst v2  }
0x108: {  	s29 =	simm.s32 $0x14080;
	[tilespmem:s5+$0x144E0] =	vst v1  }
0x109: {  	[hbm4b:s15+s20] =	stream.strided.scatter [tilespmem:s29], [sflag:$0x5], $0x5000, s21, s20, $0x38;
	[tilespmem:$0x1E080] =	vst v63  }
0x10a: {  	_ =	swait.ge [sflag:s30], $0x3000  }
0x10b: {  	[sflag:s30] =	ssyncset.done $0x0  }
0x10c: {  	s31 =	simm.s32 $0x0;
	[sflag:s30] =	ssyncadd.s32 $0xFFFFD000  }
0x10d: {  	s6 =	sand.u32 $0x3000, s31;
	s7 =	sand.u32 $0x800, s31;
	_ =	swait.ge [sflag:s1], $0x5000  }
0x10e: {  	s6 =	sor.u32 s7, s6;
	s5 =	sand.u32 $0x380, s31;
	[sflag:s1] =	ssyncset.done $0x0  }
0x10f: {  	s5 =	sor.u32 s5, s6;
	[sflag:s1] =	ssyncadd.s32 $0xFFFFB000  }
0x110: {  	v1 =	vld [tilespmem:s5+$0xA4F0]  }
0x111: {  	v2 =	vld [tilespmem:s5+$0xA080]  }
0x112: {  	v3 =	vld [tilespmem:s5+$0xA090]  }
0x113: {  	v4 =	vld [tilespmem:s5+$0xA0A0]  }
0x114: {  	v6 =	vld [tilespmem:s5+$0xA0B0]  }
0x115: {  	v7 =	vld [tilespmem:s5+$0xA0C0];
	v1 =	vperm.xlane v0, v1  }
0x116: {  	v8 =	vld [tilespmem:s5+$0xA0D0];
	v2 =	vperm.xlane v0, v2  }
0x117: {  	v9 =	vld [tilespmem:s5+$0xA0E0];
	v3 =	vperm.xlane v0, v3;
	[tilespmem:s5+$0x194F0] =	vst v1  }
0x118: {  	v5 =	vld [tilespmem:s5+$0xA0F0];
	[tilespmem:s5+$0x19080] =	vst v2;
	v1 =	vperm.xlane v0, v4  }
0x119: {  	[tilespmem:s5+$0x19090] =	vst v3;
	v4 =	vperm.xlane v0, v6;
	v3 =	vld [tilespmem:s5+$0xA480]  }
0x11a: {  	v6 =	vperm.xlane v0, v7;
	v2 =	vld [tilespmem:s5+$0xA490];
	[tilespmem:s5+$0x190A0] =	vst v1  }
0x11b: {  	s8 =	simm.s32 $0x800;
	v7 =	vperm.xlane v0, v8;
	[tilespmem:s5+$0x190B0] =	vst v4;
	v1 =	vld [tilespmem:s5+$0xA4A0]  }
0x11c: {  	s9 =	simm.s32 $0x100;
	s7 =	simm.s32 $0x40;
	s6 =	simm.s32 $0x0;
	[tilespmem:s5+$0x190C0] =	vst v6;
	v6 =	vperm.xlane v0, v9;
	v4 =	vld [tilespmem:s5+$0xA4B0]  }
.LBB2_12:
0x11d: {  	s10 =	sand.u32 $0x3000, s9;
	s11 =	sand.u32 $0x800, s8;
	s6 =	sadd.s32 $0x10, s6;
	[tilespmem:s5+$0x190D0] =	vst v7;
	v5 =	vperm.xlane v0, v5;
	v7 =	vld [tilespmem:s5+$0xA4C0]  }
0x11e: {  	s10 =	sor.u32 s11, s10;
	s11 =	sand.u32 $0x380, s7;
	p0 =	slt.u32 s6, $0x2F0;
	[tilespmem:s5+$0x190E0] =	vst v6;
	v3 =	vperm.xlane v0, v3;
	v6 =	vld [tilespmem:s5+$0xA4D0]  }
0x11f: {  	s10 =	sor.u32 s11, s10;
	[tilespmem:s5+$0x190F0] =	vst v5;
	v2 =	vperm.xlane v0, v2;
	v5 =	vld [tilespmem:s5+$0xA4E0]  }
0x120: {  	v8 =	vld [tilespmem:s10+$0xA4F0];
	[tilespmem:s5+$0x19480] =	vst v3;
	v1 =	vperm.xlane v0, v1  }
0x121: {  	v3 =	vld [tilespmem:s10+$0xA080];
	[tilespmem:s5+$0x19490] =	vst v2;
	v2 =	vperm.xlane v0, v4  }
0x122: {  	v4 =	vld [tilespmem:s10+$0xA090];
	[tilespmem:s5+$0x194A0] =	vst v1;
	v1 =	vperm.xlane v0, v7  }
0x123: {  	v7 =	vld [tilespmem:s10+$0xA0A0];
	[tilespmem:s5+$0x194B0] =	vst v2;
	v2 =	vperm.xlane v0, v6  }
0x124: {  	v6 =	vld [tilespmem:s10+$0xA0B0];
	[tilespmem:s5+$0x194C0] =	vst v1;
	v1 =	vperm.xlane v0, v5  }
0x125: {  	v9 =	vld [tilespmem:s10+$0xA0C0];
	v5 =	vperm.xlane v0, v8;
	[tilespmem:s5+$0x194D0] =	vst v2  }
0x126: {  	v2 =	vperm.xlane v0, v3;
	v8 =	vld [tilespmem:s10+$0xA0D0];
	[tilespmem:s5+$0x194E0] =	vst v1;
	s5 =	smov.u32 s10  }
0x127: {  	v1 =	vperm.xlane v0, v4;
	v4 =	vld [tilespmem:s5+$0xA0E0];
	[tilespmem:s5+$0x194F0] =	vst v5  }
.Ltmp5:
0x128: {  	[tilespmem:s5+$0x19080] =	vst v2;
	v2 =	vperm.xlane v0, v7;
	v5 =	vld [tilespmem:s5+$0xA0F0];
	(pc) =	sbr.rel @p0 .LBB2_12-.Ltmp5, $4  }
0x129: {  	[tilespmem:s5+$0x19090] =	vst v1;
	v1 =	vperm.xlane v0, v6;
	v3 =	vld [tilespmem:s5+$0xA480]  }
0x12a: {  	[tilespmem:s5+$0x190A0] =	vst v2;
	v6 =	vperm.xlane v0, v9;
	v2 =	vld [tilespmem:s5+$0xA490]  }
0x12b: {  	[tilespmem:s5+$0x190B0] =	vst v1;
	v7 =	vperm.xlane v0, v8;
	v1 =	vld [tilespmem:s5+$0xA4A0]  }
0x12c: {  	s8 =	sadd.s32 $0x800, s8;
	s9 =	sadd.s32 $0x100, s9;
	s7 =	sadd.s32 $0x40, s7;
	[tilespmem:s5+$0x190C0] =	vst v6;
	v6 =	vperm.xlane v0, v4;
	v4 =	vld [tilespmem:s5+$0xA4B0]  }
0x12d: {  	[tilespmem:s5+$0x190D0] =	vst v7;
	v5 =	vperm.xlane v0, v5;
	v7 =	vld [tilespmem:s5+$0xA4C0]  }
0x12e: {  	[tilespmem:s5+$0x190E0] =	vst v6;
	v3 =	vperm.xlane v0, v3;
	v6 =	vld [tilespmem:s5+$0xA4D0]  }
0x12f: {  	[tilespmem:s5+$0x190F0] =	vst v5;
	v2 =	vperm.xlane v0, v2;
	v5 =	vld [tilespmem:s5+$0xA4E0]  }
0x130: {  	[tilespmem:s5+$0x19480] =	vst v3;
	v1 =	vperm.xlane v0, v1  }
0x131: {  	[tilespmem:s5+$0x19490] =	vst v2;
	v2 =	vperm.xlane v0, v4  }
0x132: {  	[tilespmem:s5+$0x194A0] =	vst v1;
	v1 =	vperm.xlane v0, v7  }
0x133: {  	[tilespmem:s5+$0x194B0] =	vst v2;
	v2 =	vperm.xlane v0, v6  }
0x134: {  	[tilespmem:s5+$0x194C0] =	vst v1;
	v1 =	vperm.xlane v0, v5  }
0x135: {  	[tilespmem:s5+$0x194D0] =	vst v2  }
0x136: {  	s31 =	simm.s32 $0x19080;
	[tilespmem:s5+$0x194E0] =	vst v1  }
0x137: {  	[hbm4b:s16+s20] =	stream.strided.scatter [tilespmem:s31], [sflag:$0x6], $0x3000, s21, s20, $0x38;
	[tilespmem:$0x1E080] =	vst v63  }
0x138: {  	_ =	swait.ge [sflag:s25], $0x1000  }
0x139: {  	p0 =	por $0x0, $0x0;
	s5 =	simm.s32 $0x1;
	[sflag:s25] =	ssyncset.done $0x0  }
0x13a: {  	s5 =	simm.s32 @!p0 $0x0;
	[sflag:s25] =	ssyncadd.s32 $0xFFFFF000  }
0x13b: {  	s5 =	sshll.u32 s5, $0xB;
	_ =	swait.ge [sflag:s0], $0x5000  }
0x13c: {  	s5 =	sadd.s32 $0x0, s5;
	[sflag:s0] =	ssyncset.done $0x0  }
0x13d: {  	s10 =	sor.u32 $0x470, s5;
	[sflag:s0] =	ssyncadd.s32 $0xFFFFB000  }
0x13e: {  	s11 =	sor.u32 $0x40, s5;
	v1 =	vld [tilespmem:s10+$0x80]  }
0x13f: {  	s12 =	sor.u32 $0x50, s5;
	v2 =	vld [tilespmem:s11+$0x80]  }
0x140: {  	s13 =	sor.u32 $0x60, s5;
	v3 =	vld [tilespmem:s12+$0x80]  }
0x141: {  	s14 =	sor.u32 $0x70, s5;
	v6 =	vld [tilespmem:s13+$0x80]  }
0x142: {  	s9 =	sor.u32 $0x440, s5;
	v7 =	vld [tilespmem:s14+$0x80]  }
0x143: {  	s6 =	simm.s32 $0x0;
	s8 =	sor.u32 $0x450, s5;
	v8 =	vld [tilespmem:s9+$0x80];
	v1 =	vperm.xlane v0, v1  }
0x144: {  	s22 =	sand.u32 $0x800, s6;
	s23 =	sand.u32 $0x380, s6;
	s7 =	sor.u32 $0x460, s5;
	v9 =	vld [tilespmem:s8+$0x80];
	v2 =	vperm.xlane v0, v2  }
0x145: {  	s5 =	sor.u32 s23, s22;
	v5 =	vld [tilespmem:s7+$0x80];
	v10 =	vperm.xlane v0, v3;
	[tilespmem:s10+$0xF080] =	vst v1  }
0x146: {  	v4 =	vld [tilespmem:s5+$0x80];
	[tilespmem:s11+$0xF080] =	vst v2;
	v1 =	vperm.xlane v0, v6  }
0x147: {  	v3 =	vld [tilespmem:s5+$0x90];
	[tilespmem:s12+$0xF080] =	vst v10;
	v6 =	vperm.xlane v0, v7  }
0x148: {  	v2 =	vld [tilespmem:s5+$0xA0];
	[tilespmem:s13+$0xF080] =	vst v1  }
0x149: {  	p0 =	por !p0, !p0;
	s22 =	simm.s32 $0x0;
	s23 =	simm.s32 $0x0;
	v7 =	vperm.xlane v0, v8;
	v1 =	vld [tilespmem:s5+$0xB0];
	[tilespmem:s14+$0xF080] =	vst v6;
	v6 =	vperm.xlane v0, v9  }
.LBB2_14:
0x14a: {  	s10 =	simm.s32 $0x1  }
0x14b: {  	s22 =	sadd.s32 $0x10, s22;
	v8 =	vld [tilespmem:s5+$0x480];
	[tilespmem:s9+$0xF080] =	vst v7;
	v5 =	vperm.xlane v0, v5;
	s6 =	sadd.s32 $0x800, s6;
	s10 =	simm.s32 @!p0 $0x0  }
0x14c: {  	s23 =	sadd.s32 $0x40, s23;
	p1 =	slt.u32 s22, $0xF0;
	v4 =	vperm.xlane v0, v4;
	s9 =	sshll.u32 s10, $0xB;
	v7 =	vld [tilespmem:s5+$0x490];
	[tilespmem:s8+$0xF080] =	vst v6  }
0x14d: {  	s11 =	sand.u32 $0x380, s23;
	s8 =	sand.u32 $0x800, s6;
	v3 =	vperm.xlane v0, v3;
	s10 =	sadd.s32 s9, s23;
	v6 =	vld [tilespmem:s5+$0x4A0];
	[tilespmem:s7+$0xF080] =	vst v5  }
0x14e: {  	v2 =	vperm.xlane v0, v2;
	s12 =	sor.u32 $0x40, s10;
	s13 =	sor.u32 $0x50, s10;
	s14 =	sor.u32 $0x470, s10;
	[tilespmem:s5+$0xF080] =	vst v4;
	v4 =	vld [tilespmem:s5+$0x4B0]  }
0x14f: {  	s29 =	sor.u32 $0x60, s10;
	s31 =	sor.u32 $0x70, s10;
	s9 =	sor.u32 $0x440, s10;
	v1 =	vperm.xlane v0, v1;
	v5 =	vld [tilespmem:s14+$0x80];
	[tilespmem:s5+$0xF090] =	vst v3  }
0x150: {  	s11 =	sor.u32 s11, s8;
	s8 =	sor.u32 $0x450, s10;
	s7 =	sor.u32 $0x460, s10;
	v3 =	vld [tilespmem:s12+$0x80];
	[tilespmem:s5+$0xF0A0] =	vst v2;
	v2 =	vperm.xlane v0, v8  }
0x151: {  	v8 =	vld [tilespmem:s13+$0x80];
	[tilespmem:s5+$0xF0B0] =	vst v1;
	v1 =	vperm.xlane v0, v7  }
0x152: {  	v7 =	vld [tilespmem:s29+$0x80];
	[tilespmem:s5+$0xF480] =	vst v2;
	v2 =	vperm.xlane v0, v6  }
0x153: {  	v6 =	vld [tilespmem:s31+$0x80];
	[tilespmem:s5+$0xF490] =	vst v1;
	v1 =	vperm.xlane v0, v4  }
0x154: {  	v9 =	vld [tilespmem:s9+$0x80];
	v4 =	vperm.xlane v0, v5;
	[tilespmem:s5+$0xF4A0] =	vst v2  }
0x155: {  	v2 =	vperm.xlane v0, v3;
	v10 =	vld [tilespmem:s8+$0x80];
	[tilespmem:s5+$0xF4B0] =	vst v1;
	s5 =	smov.u32 s11  }
.Ltmp6:
0x156: {  	v1 =	vperm.xlane v0, v8;
	v5 =	vld [tilespmem:s7+$0x80];
	[tilespmem:s14+$0xF080] =	vst v4;
	(pc) =	sbr.rel @p1 .LBB2_14-.Ltmp6, $4  }
0x157: {  	v4 =	vld [tilespmem:s5+$0x80];
	[tilespmem:s12+$0xF080] =	vst v2;
	v7 =	vperm.xlane v0, v7  }
0x158: {  	v3 =	vld [tilespmem:s5+$0x90];
	[tilespmem:s13+$0xF080] =	vst v1;
	v6 =	vperm.xlane v0, v6  }
0x159: {  	v2 =	vld [tilespmem:s5+$0xA0];
	[tilespmem:s29+$0xF080] =	vst v7;
	v7 =	vperm.xlane v0, v9  }
0x15a: {  	p0 =	por !p0, !p0;
	v1 =	vld [tilespmem:s5+$0xB0];
	[tilespmem:s31+$0xF080] =	vst v6;
	v6 =	vperm.xlane v0, v10  }
0x15b: {  	v8 =	vld [tilespmem:s5+$0x480];
	[tilespmem:s9+$0xF080] =	vst v7;
	v5 =	vperm.xlane v0, v5  }
0x15c: {  	v57 =	vld [tilespmem:s5+$0x490];
	v4 =	vperm.xlane v0, v4;
	[tilespmem:s8+$0xF080] =	vst v6  }
0x15d: {  	v58 =	vld [tilespmem:s5+$0x4A0];
	v3 =	vperm.xlane v0, v3;
	[tilespmem:s7+$0xF080] =	vst v5  }
0x15e: {  	v59 =	vld [tilespmem:s5+$0x4B0];
	[tilespmem:s5+$0xF080] =	vst v4;
	v2 =	vperm.xlane v0, v2  }
0x15f: {  	[tilespmem:s5+$0xF090] =	vst v3;
	v1 =	vperm.xlane v0, v1  }
0x160: {  	[tilespmem:s5+$0xF0A0] =	vst v2;
	v60 =	vperm.xlane v0, v8  }
0x161: {  	v61 =	vperm.xlane v0, v57;
	[tilespmem:s5+$0xF0B0] =	vst v1  }
0x162: {  	v62 =	vperm.xlane v0, v58;
	[tilespmem:s5+$0xF480] =	vst v60  }
0x163: {  	v63 =	vperm.xlane v0, v59;
	[tilespmem:s5+$0xF490] =	vst v61  }
0x164: {  	[tilespmem:s5+$0xF4A0] =	vst v62  }
0x165: {  	[tilespmem:s5+$0xF4B0] =	vst v63  }
0x166: {  	[hbm4b:s17+s3] =	stream.linear.scatter [tilespmem:s26], [sflag:$0x4], $0x1000, $0x38;
	[tilespmem:$0x1E080] =	vst v63  }
0x167: {  	_ =	swait.ge [sflag:s2], $0x5000  }
0x168: {  	[sflag:s2] =	ssyncset.done $0x0  }
0x169: {  	s4 =	sadd.s32 $0x1, s4;
	[sflag:s2] =	ssyncadd.s32 $0xFFFFB000  }
0x16a: {  	p0 =	sne.s32 s4, s18;
	_ =	swait.ge [sflag:s1], $0x3000  }
.Ltmp7:
0x16b: {  	[sflag:s1] =	ssyncset.done $0x0;
	(pc) =	sbr.rel @p0 .LBB2_1-.Ltmp7, $4  }
0x16c: {  	[sflag:s1] =	ssyncadd.s32 $0xFFFFD000  }
0x16d: {  	_ =	swait.ge [sflag:s0], $0x1000  }
0x16e: {  	[sflag:s0] =	ssyncset.done $0x0  }
0x16f: {  	[sflag:s0] =	ssyncadd.s32 $0xFFFFF000  }
0x170: {  	_ =	sfence.sel $0x180000  }
0x171: {  	[bflag:$0x0] =	sbarrier.arrive $0xFFFF  }
0x172: {  	_ =	strace $0x90000047  }
0x173: {  	s0 =	stileid.u32;
	[bflag:$0x2] =	sbarrier.arrive $0xFFFF  }
0x174: {  	p0 =	sne.s32 s0, $0x0;
	s0 =	rddreg [dreg:$0x3]  }
0x175: {  	s0 =	sadd.s32 @!p0 $0x100000, s0  }
0x176: {  	[sflag:s0] =	ssyncadd.tile.s32 @!p0 $0x1;
	_ =	shalt  }
.Lfunc_end2:
_tile_overlayer_lowered:
.L_overlay_start_2:
0x177: {  	(tag) =	ssettag $0x2  }
0x178: {  	s0 =	rddreg [dreg:$0x0];
	s2 =	stileid.u32  }
0x179: {  	s1 =	rddreg [dreg:$0x1];
	p0 =	sne.s32 s2, $0x0  }
0x17a: {  	s3 =	rddreg [dreg:$0x2];
	[bflag:$0x3] =	sbarrier.arrive $0xFFFF;
	s2 =	simm.s32 @!p0 $0x1C07  }
0x17b: {  	[timem:s3], [sflag:s2] =	dma.local @!p0 [hbm:s0], s1  }
0x17c: {  	s0 =	simm.s32 @!p0 $0x7  }
0x17d: {  	_ =	swait.ge @!p0 [sflag:s0], s1  }
0x17e: {  	s1 =	ssub.s32 @!p0 $0x0, s1;
	[sflag:s0] =	ssyncset.done @!p0 $0x0  }
0x17f: {  	[sflag:s0] =	ssyncadd.s32 @!p0 s1  }
0x180: {  	[bflag:$0x3] =	sbarrier.arrive $0xFFFF  }
0x181: {  	_ =	shalt  }

</sc_bundles>
